<compile_context>
chip_gen: v7x
topology: tpu7x:2x2x1
jax: 0.10.2.dev20260603
libtpu: 0.0.44.dev20260713+nightly
codegen_flags: <defaults>
</compile_context>

<pallas_src>
import functools

import jax
import jax.numpy as jnp
from jax import lax
from jax.experimental import pallas as pl
from jax.experimental.pallas import tpu as pltpu
from jax.experimental.pallas import tpu_sc as plsc

_N = 10000
_E = 320000
_D = 128

_NC = 2
_NS = 16
_NW = _NC * _NS
_EPW = _E // _NW
_C = 100
_NCHUNK = _EPW // _C
_NBUF = 3
_NFULL = (_NCHUNK // _NBUF) * _NBUF
_NP = 10112
_RPT = _NP // _NS
_XT = _N - (_NS - 1) * _RPT


def _sc_aggregate(sd, x, zrows):
    mesh = plsc.VectorSubcoreMesh(core_axis_name="c", subcore_axis_name="s")

    @functools.partial(
        pl.kernel,
        mesh=mesh,
        out_type=jax.ShapeDtypeStruct((_NC, _NP, _D), jnp.float32),
        scratch_types=[
            [pltpu.VMEM((2, _C), jnp.int32)] * _NBUF,
            [pltpu.VMEM((_C, _D), jnp.float32)] * _NBUF,
            pltpu.VMEM_SHARED((_NP, _D), jnp.float32),
            [pltpu.SemaphoreType.DMA] * _NBUF,
            [pltpu.SemaphoreType.DMA] * _NBUF,
            [pltpu.SemaphoreType.DMA] * _NBUF,
        ],
    )
    def agg_kernel(sd_hbm, x_hbm, z_hbm, out_hbm,
                   idxb, rows, agg_s, sem_i, sem_g, sem_s):
        c = lax.axis_index("c")
        s = lax.axis_index("s")
        w = c * _NS + s

        def idx_start(k, b):
            pltpu.async_copy(sd_hbm.at[w, k], idxb[b], sem_i[b])

        def idx_wait(k, b):
            pltpu.make_async_copy(sd_hbm.at[w, k], idxb[b], sem_i[b]).wait()

        def gather_start(b):
            pltpu.async_copy(x_hbm.at[idxb[b].at[0]], rows[b], sem_g[b])

        def gather_wait(b):
            pltpu.make_async_copy(
                x_hbm.at[idxb[b].at[0]], rows[b], sem_g[b]).wait()

        def scatter_start(b):
            pltpu.async_copy(
                rows[b], agg_s.at[idxb[b].at[1]], sem_s[b], add=True)

        def scatter_wait(b):
            pltpu.make_async_copy(
                rows[b], agg_s.at[idxb[b].at[1]], sem_s[b]).wait()

        for b in range(_NBUF):
            idx_start(b, b)
        base = s * _RPT

        @pl.when(jnp.logical_and(c == 0, s < _NS - 1))
        def _():
            pltpu.sync_copy(x_hbm.at[pl.ds(base, _RPT)],
                            agg_s.at[pl.ds(base, _RPT)])

        @pl.when(jnp.logical_and(c == 0, s == _NS - 1))
        def _():
            pltpu.sync_copy(x_hbm.at[pl.ds(_N - _XT, _XT)],
                            agg_s.at[pl.ds(_N - _XT, _XT)])
            pltpu.sync_copy(z_hbm.at[pl.ds(0, _NP - _N)],
                            agg_s.at[pl.ds(_N, _NP - _N)])

        @pl.when(c == 1)
        def _():
            pltpu.sync_copy(z_hbm, agg_s.at[pl.ds(base, _RPT)])
        for b in range(_NBUF):
            idx_wait(b, b)
            gather_start(b)
        plsc.subcore_barrier()

        @pl.loop(0, _NFULL, step=_NBUF)
        def _(j):
            for b in range(_NBUF):
                k = j + b
                gather_wait(b)
                scatter_start(b)

                @pl.when(k + _NBUF < _NCHUNK)
                def _():
                    idx_start(k + _NBUF, b)
                    scatter_wait(b)
                    idx_wait(k + _NBUF, b)
                    gather_start(b)

        for b in range(_NCHUNK - _NFULL):
            gather_wait(b)
            scatter_start(b)
        for b in range(_NBUF):
            scatter_wait(b)

        plsc.subcore_barrier()
        pltpu.sync_copy(agg_s.at[pl.ds(s * _RPT, _RPT)],
                        out_hbm.at[c, pl.ds(s * _RPT, _RPT)])

    return agg_kernel(sd, x, zrows)


def _mlp_body(agg_ref, w1_ref, g1_ref, be1_ref,
              w2_ref, g2_ref, be2_ref, out_ref):
    def bn_relu(h, g_ref, be_ref):
        mu = jnp.mean(h, axis=0, keepdims=True)
        m2 = jnp.mean(jnp.square(h), axis=0, keepdims=True)
        var = m2 - jnp.square(mu)
        scale = lax.rsqrt(var + 1e-5) * g_ref[...]
        return jnp.maximum(h * scale + (be_ref[...] - mu * scale), 0.0)

    h = agg_ref[0, :_N] + agg_ref[1, :_N]
    h = bn_relu(jnp.dot(h, w1_ref[...], preferred_element_type=jnp.float32),
                g1_ref, be1_ref)
    out_ref[...] = bn_relu(
        jnp.dot(h, w2_ref[...], preferred_element_type=jnp.float32),
        g2_ref, be2_ref)


def _tc_mlp(agg, W1, g1, be1, W2, g2, be2):
    return pl.pallas_call(
        _mlp_body,
        out_shape=jax.ShapeDtypeStruct((_N, _D), jnp.float32),
    )(agg, W1, g1, be1, W2, g2, be2)


def kernel(x, pos, edge_index, W1, b1, g1, be1, W2, b2, g2, be2):
    sd = edge_index.reshape(2, _NW, _NCHUNK, _C).transpose(1, 2, 0, 3)
    zrows = jnp.zeros((_RPT, _D), jnp.float32)
    agg = _sc_aggregate(sd, x, zrows)
    row = lambda v: v.reshape(1, _D)
    return _tc_mlp(agg, W1, row(g1), row(be1), W2, row(g2), row(be2))

# --- scband reference (transcript-rebuilt; emitter-appended) ---
"""Pipeline reference for scband-cluster-encoder-35356170780707 (READ-ONLY COPY).

The authoritative reference and input builder live on the scoring server;
editing this copy changes nothing except your own understanding.
"""

import jax, jax.numpy as jnp
import numpy as np

N = 10000
E = 320000
D = 128


def _batch_norm(h, gamma, beta):
    mu = jnp.mean(h, axis=0, keepdims=True)
    var = jnp.var(h, axis=0, keepdims=True)
    return (h - mu) / jnp.sqrt(var + 1e-5) * gamma + beta


def setup_inputs(seed: int = 0) -> dict:
    key = jax.random.key(seed)
    ks = jax.random.split(key, 12)
    x = jax.random.normal(ks[0], (N, D), dtype=jnp.float32)
    pos = jax.random.normal(ks[1], (N, 2), dtype=jnp.float32)
    edge_index = jax.random.randint(ks[2], (2, E), 0, N, dtype=jnp.int32)
    scale = 1.0 / np.sqrt(D)
    W1 = jax.random.normal(ks[3], (D, D), dtype=jnp.float32) * scale
    b1 = jnp.zeros((D,), dtype=jnp.float32)
    g1 = jnp.ones((D,), dtype=jnp.float32)
    be1 = jnp.zeros((D,), dtype=jnp.float32)
    W2 = jax.random.normal(ks[4], (D, D), dtype=jnp.float32) * scale
    b2 = jnp.zeros((D,), dtype=jnp.float32)
    g2 = jnp.ones((D,), dtype=jnp.float32)
    be2 = jnp.zeros((D,), dtype=jnp.float32)
    return {"x": x, "pos": pos, "edge_index": edge_index,
            "W1": W1, "b1": b1, "g1": g1, "be1": be1,
            "W2": W2, "b2": b2, "g2": g2, "be2": be2}


def reference(x, pos, edge_index, W1, b1, g1, be1, W2, b2, g2, be2):
    # ClusterEncoder(conv_type='gin'), add_cluster_pos=False, eval-mode dropout=0.
    # GINConv: out = MLP((1 + eps) * x + sum_{j in N(i)} x_j), eps = 0 (default).
    # HeteroConv aggr='max' over a single relation is identity.
    src = edge_index[0]
    dst = edge_index[1]
    msgs = jnp.take(x, src, axis=0)                      # gather (SparseCore)
    agg = jnp.zeros_like(x).at[dst].add(msgs)            # scatter-add (SparseCore)
    h = (1.0 + 0.0) * x + agg
    # PyG MLP([128,128,128], plain_last=False): Linear->BatchNorm->ReLU->Dropout x2
    h = jax.nn.relu(_batch_norm(h @ W1 + b1, g1, be1))
    h = jax.nn.relu(_batch_norm(h @ W2 + b2, g2, be2))
    return h

if __name__ == "__main__":
    import jax
    _d = setup_inputs()
    print(jax.jit(kernel)(*tuple(_d.values())))

</pallas_src>

<mosaic_0001>
#map = affine_map<(d0, d1) -> (0, 0, 0, 0)>
#map1 = affine_map<(d0, d1) -> (0, 0)>
#map2 = affine_map<(d0, d1) -> (0, 0, 0)>
module attributes {stable_mosaic.version = 14 : i64} {
  func.func @agg_kernel(%arg0: i32, %arg1: i32, %arg2: memref<32x100x2x100xi32, #tpu.memory_space<hbm>>, %arg3: memref<10000x128xf32, #tpu.memory_space<hbm>>, %arg4: memref<632x128xf32, #tpu.memory_space<hbm>>, %arg5: memref<2x10112x128xf32, #tpu.memory_space<hbm>>, %arg6: memref<2x100xi32, #tpu.memory_space<vmem>>, %arg7: memref<2x100xi32, #tpu.memory_space<vmem>>, %arg8: memref<2x100xi32, #tpu.memory_space<vmem>>, %arg9: memref<100x128xf32, #tpu.memory_space<vmem>>, %arg10: memref<100x128xf32, #tpu.memory_space<vmem>>, %arg11: memref<100x128xf32, #tpu.memory_space<vmem>>, %arg12: memref<10112x128xf32, #tpu.memory_space<vmem_shared>>, %arg13: memref<!tpu.dma_semaphore, #tpu.memory_space<semaphore_mem>>, %arg14: memref<!tpu.dma_semaphore, #tpu.memory_space<semaphore_mem>>, %arg15: memref<!tpu.dma_semaphore, #tpu.memory_space<semaphore_mem>>, %arg16: memref<!tpu.dma_semaphore, #tpu.memory_space<semaphore_mem>>, %arg17: memref<!tpu.dma_semaphore, #tpu.memory_space<semaphore_mem>>, %arg18: memref<!tpu.dma_semaphore, #tpu.memory_space<semaphore_mem>>, %arg19: memref<!tpu.dma_semaphore, #tpu.memory_space<semaphore_mem>>, %arg20: memref<!tpu.dma_semaphore, #tpu.memory_space<semaphore_mem>>, %arg21: memref<!tpu.dma_semaphore, #tpu.memory_space<semaphore_mem>>) attributes {dimension_semantics = [#tpu.dimension_semantics<core_parallel>, #tpu.dimension_semantics<subcore_parallel>], iteration_bounds = array<i64: 2, 16>, scalar_prefetch = 0 : i64, scratch_operands = 16 : i64, tpu.core_type = #tpu.core_type<sc_vector_subcore>, window_params = [{transform_indices = #map}, {transform_indices = #map1}, {transform_indices = #map1}, {transform_indices = #map2}]} {
    %mul3A = arith.constant 16 : i32
    %mul3A_0 = arith.muli %arg0, %mul3A : i32
    %add3A = arith.addi %mul3A_0, %arg1 : i32
    %dma_start3A = arith.constant 0 : i32
    %dma_start3A_1 = arith.constant 0 : i32
    %dma_start3A_2 = arith.constant 0 : i32
    %dma_start3A_3 = tpu.memref_slice %arg2[%add3A, %dma_start3A, %dma_start3A_1, %dma_start3A_2] : memref<32x100x2x100xi32, #tpu.memory_space<hbm>> -> memref<1x1x2x100xi32, #tpu.memory_space<hbm>>
    %dma_start3A_4 = tpu.memref_squeeze %dma_start3A_3 : memref<1x1x2x100xi32, #tpu.memory_space<hbm>> -> memref<2x100xi32, #tpu.memory_space<hbm>>
    %dma_start3A_5 = arith.constant 0 : i32
    %dma_start3A_6 = arith.constant 0 : i32
    %dma_start3A_7 = tpu.memref_slice %arg2[%add3A, %dma_start3A, %dma_start3A_5, %dma_start3A_6] : memref<32x100x2x100xi32, #tpu.memory_space<hbm>> -> memref<1x1x2x100xi32, #tpu.memory_space<hbm>>
    %dma_start3A_8 = tpu.memref_squeeze %dma_start3A_7 : memref<1x1x2x100xi32, #tpu.memory_space<hbm>> -> memref<2x100xi32, #tpu.memory_space<hbm>>
    tpu.enqueue_dma source(%dma_start3A_8 : memref<2x100xi32, #tpu.memory_space<hbm>>) target(%arg6 : memref<2x100xi32, #tpu.memory_space<vmem>>) target_semaphore(%arg13 : memref<!tpu.dma_semaphore, #tpu.memory_space<semaphore_mem>>)
    %dma_start3A_9 = arith.constant 1 : i32
    %dma_start3A_10 = arith.constant 0 : i32
    %dma_start3A_11 = arith.constant 0 : i32
    %dma_start3A_12 = tpu.memref_slice %arg2[%add3A, %dma_start3A_9, %dma_start3A_10, %dma_start3A_11] : memref<32x100x2x100xi32, #tpu.memory_space<hbm>> -> memref<1x1x2x100xi32, #tpu.memory_space<hbm>>
    %dma_start3A_13 = tpu.memref_squeeze %dma_start3A_12 : memref<1x1x2x100xi32, #tpu.memory_space<hbm>> -> memref<2x100xi32, #tpu.memory_space<hbm>>
    %dma_start3A_14 = arith.constant 0 : i32
    %dma_start3A_15 = arith.constant 0 : i32
    %dma_start3A_16 = tpu.memref_slice %arg2[%add3A, %dma_start3A_9, %dma_start3A_14, %dma_start3A_15] : memref<32x100x2x100xi32, #tpu.memory_space<hbm>> -> memref<1x1x2x100xi32, #tpu.memory_space<hbm>>
    %dma_start3A_17 = tpu.memref_squeeze %dma_start3A_16 : memref<1x1x2x100xi32, #tpu.memory_space<hbm>> -> memref<2x100xi32, #tpu.memory_space<hbm>>
    tpu.enqueue_dma source(%dma_start3A_17 : memref<2x100xi32, #tpu.memory_space<hbm>>) target(%arg7 : memref<2x100xi32, #tpu.memory_space<vmem>>) target_semaphore(%arg14 : memref<!tpu.dma_semaphore, #tpu.memory_space<semaphore_mem>>)
    %dma_start3A_18 = arith.constant 2 : i32
    %dma_start3A_19 = arith.constant 0 : i32
    %dma_start3A_20 = arith.constant 0 : i32
    %dma_start3A_21 = tpu.memref_slice %arg2[%add3A, %dma_start3A_18, %dma_start3A_19, %dma_start3A_20] : memref<32x100x2x100xi32, #tpu.memory_space<hbm>> -> memref<1x1x2x100xi32, #tpu.memory_space<hbm>>
    %dma_start3A_22 = tpu.memref_squeeze %dma_start3A_21 : memref<1x1x2x100xi32, #tpu.memory_space<hbm>> -> memref<2x100xi32, #tpu.memory_space<hbm>>
    %dma_start3A_23 = arith.constant 0 : i32
    %dma_start3A_24 = arith.constant 0 : i32
    %dma_start3A_25 = tpu.memref_slice %arg2[%add3A, %dma_start3A_18, %dma_start3A_23, %dma_start3A_24] : memref<32x100x2x100xi32, #tpu.memory_space<hbm>> -> memref<1x1x2x100xi32, #tpu.memory_space<hbm>>
    %dma_start3A_26 = tpu.memref_squeeze %dma_start3A_25 : memref<1x1x2x100xi32, #tpu.memory_space<hbm>> -> memref<2x100xi32, #tpu.memory_space<hbm>>
    tpu.enqueue_dma source(%dma_start3A_26 : memref<2x100xi32, #tpu.memory_space<hbm>>) target(%arg8 : memref<2x100xi32, #tpu.memory_space<vmem>>) target_semaphore(%arg15 : memref<!tpu.dma_semaphore, #tpu.memory_space<semaphore_mem>>)
    %mul3A_27 = arith.constant 632 : i32
    %mul3A_28 = arith.muli %arg1, %mul3A_27 : i32
    %eq3A = arith.constant 0 : i32
    %eq3A_29 = arith.cmpi eq, %arg0, %eq3A : i32
    %lt3A = arith.constant 15 : i32
    %lt3A_30 = arith.cmpi slt, %arg1, %lt3A : i32
    %and3A = arith.andi %eq3A_29, %lt3A_30 : i1
    %convert_element_type3A = arith.extui %and3A : i1 to i32
    %cond3A = arith.constant 0 : i32
    %cond3A_31 = arith.cmpi ne, %convert_element_type3A, %cond3A : i32
    scf.if %cond3A_31 {
      "tpu.region"() ({
        %run_scoped3A = tpu.sem_alloc : memref<!tpu.dma_semaphore, #tpu.memory_space<semaphore_mem>>
        %dma_start3A_136 = arith.constant 0 : i32
        %dma_start3A_137 = tpu.memref_slice %arg12[%mul3A_28, %dma_start3A_136] : memref<10112x128xf32, #tpu.memory_space<vmem_shared>> -> memref<632x128xf32, #tpu.memory_space<vmem_shared>>
        %dma_start3A_138 = arith.constant 0 : i32
        %dma_start3A_139 = tpu.memref_slice %arg3[%mul3A_28, %dma_start3A_138] : memref<10000x128xf32, #tpu.memory_space<hbm>> -> memref<632x128xf32, #tpu.memory_space<hbm>>
        tpu.enqueue_dma source(%dma_start3A_139 : memref<632x128xf32, #tpu.memory_space<hbm>>) target(%dma_start3A_137 : memref<632x128xf32, #tpu.memory_space<vmem_shared>>) target_semaphore(%run_scoped3A : memref<!tpu.dma_semaphore, #tpu.memory_space<semaphore_mem>>)
        %dma_wait3A_140 = arith.constant 0 : i32
        %dma_wait3A_141 = tpu.memref_slice %arg12[%mul3A_28, %dma_wait3A_140] : memref<10112x128xf32, #tpu.memory_space<vmem_shared>> -> memref<632x128xf32, #tpu.memory_space<vmem_shared>>
        %dma_wait3A_142 = arith.constant 0 : i32
        %dma_wait3A_143 = tpu.memref_slice %arg3[%mul3A_28, %dma_wait3A_142] : memref<10000x128xf32, #tpu.memory_space<hbm>> -> memref<632x128xf32, #tpu.memory_space<hbm>>
        tpu.wait_dma2 semaphore(%run_scoped3A : memref<!tpu.dma_semaphore, #tpu.memory_space<semaphore_mem>>) src(%dma_wait3A_143 : memref<632x128xf32, #tpu.memory_space<hbm>>) dst(%dma_wait3A_141 : memref<632x128xf32, #tpu.memory_space<vmem_shared>>)
        tpu.yield
      }) : () -> ()
    } else {
    }
    %eq3A_32 = arith.constant 0 : i32
    %eq3A_33 = arith.cmpi eq, %arg0, %eq3A_32 : i32
    %eq3A_34 = arith.constant 15 : i32
    %eq3A_35 = arith.cmpi eq, %arg1, %eq3A_34 : i32
    %and3A_36 = arith.andi %eq3A_33, %eq3A_35 : i1
    %convert_element_type3A_37 = arith.extui %and3A_36 : i1 to i32
    %cond3A_38 = arith.constant 0 : i32
    %cond3A_39 = arith.cmpi ne, %convert_element_type3A_37, %cond3A_38 : i32
    scf.if %cond3A_39 {
      "tpu.region"() ({
        %run_scoped3A = tpu.sem_alloc : memref<!tpu.dma_semaphore, #tpu.memory_space<semaphore_mem>>
        %dma_start3A_136 = arith.constant 9480 : i32
        %dma_start3A_137 = arith.constant 0 : i32
        %dma_start3A_138 = tpu.memref_slice %arg12[%dma_start3A_136, %dma_start3A_137] : memref<10112x128xf32, #tpu.memory_space<vmem_shared>> -> memref<520x128xf32, #tpu.memory_space<vmem_shared>>
        %dma_start3A_139 = arith.constant 9480 : i32
        %dma_start3A_140 = arith.constant 0 : i32
        %dma_start3A_141 = tpu.memref_slice %arg3[%dma_start3A_139, %dma_start3A_140] : memref<10000x128xf32, #tpu.memory_space<hbm>> -> memref<520x128xf32, #tpu.memory_space<hbm>>
        tpu.enqueue_dma source(%dma_start3A_141 : memref<520x128xf32, #tpu.memory_space<hbm>>) target(%dma_start3A_138 : memref<520x128xf32, #tpu.memory_space<vmem_shared>>) target_semaphore(%run_scoped3A : memref<!tpu.dma_semaphore, #tpu.memory_space<semaphore_mem>>)
        %dma_wait3A_142 = arith.constant 9480 : i32
        %dma_wait3A_143 = arith.constant 0 : i32
        %dma_wait3A_144 = tpu.memref_slice %arg12[%dma_wait3A_142, %dma_wait3A_143] : memref<10112x128xf32, #tpu.memory_space<vmem_shared>> -> memref<520x128xf32, #tpu.memory_space<vmem_shared>>
        %dma_wait3A_145 = arith.constant 9480 : i32
        %dma_wait3A_146 = arith.constant 0 : i32
        %dma_wait3A_147 = tpu.memref_slice %arg3[%dma_wait3A_145, %dma_wait3A_146] : memref<10000x128xf32, #tpu.memory_space<hbm>> -> memref<520x128xf32, #tpu.memory_space<hbm>>
        tpu.wait_dma2 semaphore(%run_scoped3A : memref<!tpu.dma_semaphore, #tpu.memory_space<semaphore_mem>>) src(%dma_wait3A_147 : memref<520x128xf32, #tpu.memory_space<hbm>>) dst(%dma_wait3A_144 : memref<520x128xf32, #tpu.memory_space<vmem_shared>>)
        tpu.yield
      }) : () -> ()
      "tpu.region"() ({
        %run_scoped3A = tpu.sem_alloc : memref<!tpu.dma_semaphore, #tpu.memory_space<semaphore_mem>>
        %dma_start3A_136 = arith.constant 10000 : i32
        %dma_start3A_137 = arith.constant 0 : i32
        %dma_start3A_138 = tpu.memref_slice %arg12[%dma_start3A_136, %dma_start3A_137] : memref<10112x128xf32, #tpu.memory_space<vmem_shared>> -> memref<112x128xf32, #tpu.memory_space<vmem_shared>>
        %dma_start3A_139 = arith.constant 0 : i32
        %dma_start3A_140 = arith.constant 0 : i32
        %dma_start3A_141 = tpu.memref_slice %arg4[%dma_start3A_139, %dma_start3A_140] : memref<632x128xf32, #tpu.memory_space<hbm>> -> memref<112x128xf32, #tpu.memory_space<hbm>>
        tpu.enqueue_dma source(%dma_start3A_141 : memref<112x128xf32, #tpu.memory_space<hbm>>) target(%dma_start3A_138 : memref<112x128xf32, #tpu.memory_space<vmem_shared>>) target_semaphore(%run_scoped3A : memref<!tpu.dma_semaphore, #tpu.memory_space<semaphore_mem>>)
        %dma_wait3A_142 = arith.constant 10000 : i32
        %dma_wait3A_143 = arith.constant 0 : i32
        %dma_wait3A_144 = tpu.memref_slice %arg12[%dma_wait3A_142, %dma_wait3A_143] : memref<10112x128xf32, #tpu.memory_space<vmem_shared>> -> memref<112x128xf32, #tpu.memory_space<vmem_shared>>
        %dma_wait3A_145 = arith.constant 0 : i32
        %dma_wait3A_146 = arith.constant 0 : i32
        %dma_wait3A_147 = tpu.memref_slice %arg4[%dma_wait3A_145, %dma_wait3A_146] : memref<632x128xf32, #tpu.memory_space<hbm>> -> memref<112x128xf32, #tpu.memory_space<hbm>>
        tpu.wait_dma2 semaphore(%run_scoped3A : memref<!tpu.dma_semaphore, #tpu.memory_space<semaphore_mem>>) src(%dma_wait3A_147 : memref<112x128xf32, #tpu.memory_space<hbm>>) dst(%dma_wait3A_144 : memref<112x128xf32, #tpu.memory_space<vmem_shared>>)
        tpu.yield
      }) : () -> ()
    } else {
    }
    %eq3A_40 = arith.constant 1 : i32
    %eq3A_41 = arith.cmpi eq, %arg0, %eq3A_40 : i32
    %convert_element_type3A_42 = arith.extui %eq3A_41 : i1 to i32
    %cond3A_43 = arith.constant 0 : i32
    %cond3A_44 = arith.cmpi ne, %convert_element_type3A_42, %cond3A_43 : i32
    scf.if %cond3A_44 {
      "tpu.region"() ({
        %run_scoped3A = tpu.sem_alloc : memref<!tpu.dma_semaphore, #tpu.memory_space<semaphore_mem>>
        %dma_start3A_136 = arith.constant 0 : i32
        %dma_start3A_137 = tpu.memref_slice %arg12[%mul3A_28, %dma_start3A_136] : memref<10112x128xf32, #tpu.memory_space<vmem_shared>> -> memref<632x128xf32, #tpu.memory_space<vmem_shared>>
        tpu.enqueue_dma source(%arg4 : memref<632x128xf32, #tpu.memory_space<hbm>>) target(%dma_start3A_137 : memref<632x128xf32, #tpu.memory_space<vmem_shared>>) target_semaphore(%run_scoped3A : memref<!tpu.dma_semaphore, #tpu.memory_space<semaphore_mem>>)
        %dma_wait3A_138 = arith.constant 0 : i32
        %dma_wait3A_139 = tpu.memref_slice %arg12[%mul3A_28, %dma_wait3A_138] : memref<10112x128xf32, #tpu.memory_space<vmem_shared>> -> memref<632x128xf32, #tpu.memory_space<vmem_shared>>
        tpu.wait_dma2 semaphore(%run_scoped3A : memref<!tpu.dma_semaphore, #tpu.memory_space<semaphore_mem>>) src(%arg4 : memref<632x128xf32, #tpu.memory_space<hbm>>) dst(%dma_wait3A_139 : memref<632x128xf32, #tpu.memory_space<vmem_shared>>)
        tpu.yield
      }) : () -> ()
    } else {
    }
    %dma_wait3A = arith.constant 0 : i32
    %dma_wait3A_45 = arith.constant 0 : i32
    %dma_wait3A_46 = arith.constant 0 : i32
    %dma_wait3A_47 = tpu.memref_slice %arg2[%add3A, %dma_wait3A, %dma_wait3A_45, %dma_wait3A_46] : memref<32x100x2x100xi32, #tpu.memory_space<hbm>> -> memref<1x1x2x100xi32, #tpu.memory_space<hbm>>
    %dma_wait3A_48 = tpu.memref_squeeze %dma_wait3A_47 : memref<1x1x2x100xi32, #tpu.memory_space<hbm>> -> memref<2x100xi32, #tpu.memory_space<hbm>>
    %dma_wait3A_49 = arith.constant 0 : i32
    %dma_wait3A_50 = arith.constant 0 : i32
    %dma_wait3A_51 = tpu.memref_slice %arg2[%add3A, %dma_wait3A, %dma_wait3A_49, %dma_wait3A_50] : memref<32x100x2x100xi32, #tpu.memory_space<hbm>> -> memref<1x1x2x100xi32, #tpu.memory_space<hbm>>
    %dma_wait3A_52 = tpu.memref_squeeze %dma_wait3A_51 : memref<1x1x2x100xi32, #tpu.memory_space<hbm>> -> memref<2x100xi32, #tpu.memory_space<hbm>>
    tpu.wait_dma2 semaphore(%arg13 : memref<!tpu.dma_semaphore, #tpu.memory_space<semaphore_mem>>) src(%dma_wait3A_52 : memref<2x100xi32, #tpu.memory_space<hbm>>) dst(%arg6 : memref<2x100xi32, #tpu.memory_space<vmem>>)
    %dma_start3A_53 = arith.constant 0 : i32
    %dma_start3A_54 = arith.constant 0 : i32
    %dma_start3A_55 = tpu.memref_slice %arg6[%dma_start3A_53, %dma_start3A_54] : memref<2x100xi32, #tpu.memory_space<vmem>> -> memref<1x100xi32, #tpu.memory_space<vmem>>
    %dma_start3A_56 = tpu.memref_squeeze %dma_start3A_55 : memref<1x100xi32, #tpu.memory_space<vmem>> -> memref<100xi32, #tpu.memory_space<vmem>>
    %dma_start3A_57 = arith.constant 0 : i32
    %dma_start3A_58 = arith.constant 0 : i32
    %dma_start3A_59 = tpu.memref_slice %arg3[%dma_start3A_57, %dma_start3A_58] : memref<10000x128xf32, #tpu.memory_space<hbm>> -> memref<10000x128xf32, #tpu.memory_space<hbm>>
    tpu.enqueue_indirect_dma source(%dma_start3A_59 : memref<10000x128xf32, #tpu.memory_space<hbm>>) target(%arg9 : memref<100x128xf32, #tpu.memory_space<vmem>>) offsets(%dma_start3A_56 : memref<100xi32, #tpu.memory_space<vmem>>) semaphore(%arg16 : memref<!tpu.dma_semaphore, #tpu.memory_space<semaphore_mem>>)
    %dma_wait3A_60 = arith.constant 1 : i32
    %dma_wait3A_61 = arith.constant 0 : i32
    %dma_wait3A_62 = arith.constant 0 : i32
    %dma_wait3A_63 = tpu.memref_slice %arg2[%add3A, %dma_wait3A_60, %dma_wait3A_61, %dma_wait3A_62] : memref<32x100x2x100xi32, #tpu.memory_space<hbm>> -> memref<1x1x2x100xi32, #tpu.memory_space<hbm>>
    %dma_wait3A_64 = tpu.memref_squeeze %dma_wait3A_63 : memref<1x1x2x100xi32, #tpu.memory_space<hbm>> -> memref<2x100xi32, #tpu.memory_space<hbm>>
    %dma_wait3A_65 = arith.constant 0 : i32
    %dma_wait3A_66 = arith.constant 0 : i32
    %dma_wait3A_67 = tpu.memref_slice %arg2[%add3A, %dma_wait3A_60, %dma_wait3A_65, %dma_wait3A_66] : memref<32x100x2x100xi32, #tpu.memory_space<hbm>> -> memref<1x1x2x100xi32, #tpu.memory_space<hbm>>
    %dma_wait3A_68 = tpu.memref_squeeze %dma_wait3A_67 : memref<1x1x2x100xi32, #tpu.memory_space<hbm>> -> memref<2x100xi32, #tpu.memory_space<hbm>>
    tpu.wait_dma2 semaphore(%arg14 : memref<!tpu.dma_semaphore, #tpu.memory_space<semaphore_mem>>) src(%dma_wait3A_68 : memref<2x100xi32, #tpu.memory_space<hbm>>) dst(%arg7 : memref<2x100xi32, #tpu.memory_space<vmem>>)
    %dma_start3A_69 = arith.constant 0 : i32
    %dma_start3A_70 = arith.constant 0 : i32
    %dma_start3A_71 = tpu.memref_slice %arg7[%dma_start3A_69, %dma_start3A_70] : memref<2x100xi32, #tpu.memory_space<vmem>> -> memref<1x100xi32, #tpu.memory_space<vmem>>
    %dma_start3A_72 = tpu.memref_squeeze %dma_start3A_71 : memref<1x100xi32, #tpu.memory_space<vmem>> -> memref<100xi32, #tpu.memory_space<vmem>>
    %dma_start3A_73 = arith.constant 0 : i32
    %dma_start3A_74 = arith.constant 0 : i32
    %dma_start3A_75 = tpu.memref_slice %arg3[%dma_start3A_73, %dma_start3A_74] : memref<10000x128xf32, #tpu.memory_space<hbm>> -> memref<10000x128xf32, #tpu.memory_space<hbm>>
    tpu.enqueue_indirect_dma source(%dma_start3A_75 : memref<10000x128xf32, #tpu.memory_space<hbm>>) target(%arg10 : memref<100x128xf32, #tpu.memory_space<vmem>>) offsets(%dma_start3A_72 : memref<100xi32, #tpu.memory_space<vmem>>) semaphore(%arg17 : memref<!tpu.dma_semaphore, #tpu.memory_space<semaphore_mem>>)
    %dma_wait3A_76 = arith.constant 2 : i32
    %dma_wait3A_77 = arith.constant 0 : i32
    %dma_wait3A_78 = arith.constant 0 : i32
    %dma_wait3A_79 = tpu.memref_slice %arg2[%add3A, %dma_wait3A_76, %dma_wait3A_77, %dma_wait3A_78] : memref<32x100x2x100xi32, #tpu.memory_space<hbm>> -> memref<1x1x2x100xi32, #tpu.memory_space<hbm>>
    %dma_wait3A_80 = tpu.memref_squeeze %dma_wait3A_79 : memref<1x1x2x100xi32, #tpu.memory_space<hbm>> -> memref<2x100xi32, #tpu.memory_space<hbm>>
    %dma_wait3A_81 = arith.constant 0 : i32
    %dma_wait3A_82 = arith.constant 0 : i32
    %dma_wait3A_83 = tpu.memref_slice %arg2[%add3A, %dma_wait3A_76, %dma_wait3A_81, %dma_wait3A_82] : memref<32x100x2x100xi32, #tpu.memory_space<hbm>> -> memref<1x1x2x100xi32, #tpu.memory_space<hbm>>
    %dma_wait3A_84 = tpu.memref_squeeze %dma_wait3A_83 : memref<1x1x2x100xi32, #tpu.memory_space<hbm>> -> memref<2x100xi32, #tpu.memory_space<hbm>>
    tpu.wait_dma2 semaphore(%arg15 : memref<!tpu.dma_semaphore, #tpu.memory_space<semaphore_mem>>) src(%dma_wait3A_84 : memref<2x100xi32, #tpu.memory_space<hbm>>) dst(%arg8 : memref<2x100xi32, #tpu.memory_space<vmem>>)
    %dma_start3A_85 = arith.constant 0 : i32
    %dma_start3A_86 = arith.constant 0 : i32
    %dma_start3A_87 = tpu.memref_slice %arg8[%dma_start3A_85, %dma_start3A_86] : memref<2x100xi32, #tpu.memory_space<vmem>> -> memref<1x100xi32, #tpu.memory_space<vmem>>
    %dma_start3A_88 = tpu.memref_squeeze %dma_start3A_87 : memref<1x100xi32, #tpu.memory_space<vmem>> -> memref<100xi32, #tpu.memory_space<vmem>>
    %dma_start3A_89 = arith.constant 0 : i32
    %dma_start3A_90 = arith.constant 0 : i32
    %dma_start3A_91 = tpu.memref_slice %arg3[%dma_start3A_89, %dma_start3A_90] : memref<10000x128xf32, #tpu.memory_space<hbm>> -> memref<10000x128xf32, #tpu.memory_space<hbm>>
    tpu.enqueue_indirect_dma source(%dma_start3A_91 : memref<10000x128xf32, #tpu.memory_space<hbm>>) target(%arg11 : memref<100x128xf32, #tpu.memory_space<vmem>>) offsets(%dma_start3A_88 : memref<100xi32, #tpu.memory_space<vmem>>) semaphore(%arg18 : memref<!tpu.dma_semaphore, #tpu.memory_space<semaphore_mem>>)
    %barrier3A = arith.constant 0 : index
    tpu.barrier barrier_id(%barrier3A)
    %scan3A = arith.constant 0 : i32
    %scan3A_92 = arith.constant 33 : i32
    %scan3A_93 = arith.addi %scan3A, %scan3A_92 : i32
    %scan3A_94 = arith.constant 1 : i32
    scf.for %scan3A_136 = %scan3A to %scan3A_93 step %scan3A_94  : i32 {
      %mul3A_137 = arith.constant 3 : i32
      %mul3A_138 = arith.muli %scan3A_136, %mul3A_137 : i32
      %add3A_139 = arith.constant 0 : i32
      %add3A_140 = arith.addi %add3A_139, %mul3A_138 : i32
      %add3A_141 = arith.constant 0 : i32
      %add3A_142 = arith.addi %add3A_140, %add3A_141 : i32
      %dma_wait3A_143 = arith.constant 0 : i32
      %dma_wait3A_144 = arith.constant 0 : i32
      %dma_wait3A_145 = tpu.memref_slice %arg6[%dma_wait3A_143, %dma_wait3A_144] : memref<2x100xi32, #tpu.memory_space<vmem>> -> memref<1x100xi32, #tpu.memory_space<vmem>>
      %dma_wait3A_146 = tpu.memref_squeeze %dma_wait3A_145 : memref<1x100xi32, #tpu.memory_space<vmem>> -> memref<100xi32, #tpu.memory_space<vmem>>
      %dma_wait3A_147 = arith.constant 0 : i32
      %dma_wait3A_148 = arith.constant 0 : i32
      %dma_wait3A_149 = tpu.memref_slice %arg3[%dma_wait3A_147, %dma_wait3A_148] : memref<10000x128xf32, #tpu.memory_space<hbm>> -> memref<10000x128xf32, #tpu.memory_space<hbm>>
      tpu.wait_indirect_dma semaphore(%arg16 : memref<!tpu.dma_semaphore, #tpu.memory_space<semaphore_mem>>) src(%dma_wait3A_149 : memref<10000x128xf32, #tpu.memory_space<hbm>>) dst(%arg9 : memref<100x128xf32, #tpu.memory_space<vmem>>)
      %dma_start3A_150 = arith.constant 1 : i32
      %dma_start3A_151 = arith.constant 0 : i32
      %dma_start3A_152 = tpu.memref_slice %arg6[%dma_start3A_150, %dma_start3A_151] : memref<2x100xi32, #tpu.memory_space<vmem>> -> memref<1x100xi32, #tpu.memory_space<vmem>>
      %dma_start3A_153 = tpu.memref_squeeze %dma_start3A_152 : memref<1x100xi32, #tpu.memory_space<vmem>> -> memref<100xi32, #tpu.memory_space<vmem>>
      %dma_start3A_154 = arith.constant 0 : i32
      %dma_start3A_155 = arith.constant 0 : i32
      %dma_start3A_156 = tpu.memref_slice %arg12[%dma_start3A_154, %dma_start3A_155] : memref<10112x128xf32, #tpu.memory_space<vmem_shared>> -> memref<10112x128xf32, #tpu.memory_space<vmem_shared>>
      tpu.enqueue_indirect_dma source(%arg9 : memref<100x128xf32, #tpu.memory_space<vmem>>) target(%dma_start3A_156 : memref<10112x128xf32, #tpu.memory_space<vmem_shared>>) offsets(%dma_start3A_153 : memref<100xi32, #tpu.memory_space<vmem>>) semaphore(%arg19 : memref<!tpu.dma_semaphore, #tpu.memory_space<semaphore_mem>>) {add = true}
      %add3A_157 = arith.constant 3 : i32
      %add3A_158 = arith.addi %add3A_142, %add3A_157 : i32
      %lt3A_159 = arith.constant 100 : i32
      %lt3A_160 = arith.cmpi slt, %add3A_158, %lt3A_159 : i32
      %convert_element_type3A_161 = arith.extui %lt3A_160 : i1 to i32
      %cond3A_162 = arith.constant 0 : i32
      %cond3A_163 = arith.cmpi ne, %convert_element_type3A_161, %cond3A_162 : i32
      scf.if %cond3A_163 {
        %add3A_210 = arith.constant 3 : i32
        %add3A_211 = arith.addi %add3A_142, %add3A_210 : i32
        %dma_start3A_212 = arith.constant 0 : i32
        %dma_start3A_213 = arith.constant 0 : i32
        %dma_start3A_214 = tpu.memref_slice %arg2[%add3A, %add3A_211, %dma_start3A_212, %dma_start3A_213] : memref<32x100x2x100xi32, #tpu.memory_space<hbm>> -> memref<1x1x2x100xi32, #tpu.memory_space<hbm>>
        %dma_start3A_215 = tpu.memref_squeeze %dma_start3A_214 : memref<1x1x2x100xi32, #tpu.memory_space<hbm>> -> memref<2x100xi32, #tpu.memory_space<hbm>>
        %dma_start3A_216 = arith.constant 0 : i32
        %dma_start3A_217 = arith.constant 0 : i32
        %dma_start3A_218 = tpu.memref_slice %arg2[%add3A, %add3A_211, %dma_start3A_216, %dma_start3A_217] : memref<32x100x2x100xi32, #tpu.memory_space<hbm>> -> memref<1x1x2x100xi32, #tpu.memory_space<hbm>>
        %dma_start3A_219 = tpu.memref_squeeze %dma_start3A_218 : memref<1x1x2x100xi32, #tpu.memory_space<hbm>> -> memref<2x100xi32, #tpu.memory_space<hbm>>
        tpu.enqueue_dma source(%dma_start3A_219 : memref<2x100xi32, #tpu.memory_space<hbm>>) target(%arg6 : memref<2x100xi32, #tpu.memory_space<vmem>>) target_semaphore(%arg13 : memref<!tpu.dma_semaphore, #tpu.memory_space<semaphore_mem>>)
        %dma_wait3A_220 = arith.constant 1 : i32
        %dma_wait3A_221 = arith.constant 0 : i32
        %dma_wait3A_222 = tpu.memref_slice %arg6[%dma_wait3A_220, %dma_wait3A_221] : memref<2x100xi32, #tpu.memory_space<vmem>> -> memref<1x100xi32, #tpu.memory_space<vmem>>
        %dma_wait3A_223 = tpu.memref_squeeze %dma_wait3A_222 : memref<1x100xi32, #tpu.memory_space<vmem>> -> memref<100xi32, #tpu.memory_space<vmem>>
        %dma_wait3A_224 = arith.constant 0 : i32
        %dma_wait3A_225 = arith.constant 0 : i32
        %dma_wait3A_226 = tpu.memref_slice %arg12[%dma_wait3A_224, %dma_wait3A_225] : memref<10112x128xf32, #tpu.memory_space<vmem_shared>> -> memref<10112x128xf32, #tpu.memory_space<vmem_shared>>
        tpu.wait_indirect_dma semaphore(%arg19 : memref<!tpu.dma_semaphore, #tpu.memory_space<semaphore_mem>>) src(%arg9 : memref<100x128xf32, #tpu.memory_space<vmem>>) dst(%dma_wait3A_226 : memref<10112x128xf32, #tpu.memory_space<vmem_shared>>)
        %add3A_227 = arith.constant 3 : i32
        %add3A_228 = arith.addi %add3A_142, %add3A_227 : i32
        %dma_wait3A_229 = arith.constant 0 : i32
        %dma_wait3A_230 = arith.constant 0 : i32
        %dma_wait3A_231 = tpu.memref_slice %arg2[%add3A, %add3A_228, %dma_wait3A_229, %dma_wait3A_230] : memref<32x100x2x100xi32, #tpu.memory_space<hbm>> -> memref<1x1x2x100xi32, #tpu.memory_space<hbm>>
        %dma_wait3A_232 = tpu.memref_squeeze %dma_wait3A_231 : memref<1x1x2x100xi32, #tpu.memory_space<hbm>> -> memref<2x100xi32, #tpu.memory_space<hbm>>
        %dma_wait3A_233 = arith.constant 0 : i32
        %dma_wait3A_234 = arith.constant 0 : i32
        %dma_wait3A_235 = tpu.memref_slice %arg2[%add3A, %add3A_228, %dma_wait3A_233, %dma_wait3A_234] : memref<32x100x2x100xi32, #tpu.memory_space<hbm>> -> memref<1x1x2x100xi32, #tpu.memory_space<hbm>>
        %dma_wait3A_236 = tpu.memref_squeeze %dma_wait3A_235 : memref<1x1x2x100xi32, #tpu.memory_space<hbm>> -> memref<2x100xi32, #tpu.memory_space<hbm>>
        tpu.wait_dma2 semaphore(%arg13 : memref<!tpu.dma_semaphore, #tpu.memory_space<semaphore_mem>>) src(%dma_wait3A_236 : memref<2x100xi32, #tpu.memory_space<hbm>>) dst(%arg6 : memref<2x100xi32, #tpu.memory_space<vmem>>)
        %dma_start3A_237 = arith.constant 0 : i32
        %dma_start3A_238 = arith.constant 0 : i32
        %dma_start3A_239 = tpu.memref_slice %arg6[%dma_start3A_237, %dma_start3A_238] : memref<2x100xi32, #tpu.memory_space<vmem>> -> memref<1x100xi32, #tpu.memory_space<vmem>>
        %dma_start3A_240 = tpu.memref_squeeze %dma_start3A_239 : memref<1x100xi32, #tpu.memory_space<vmem>> -> memref<100xi32, #tpu.memory_space<vmem>>
        %dma_start3A_241 = arith.constant 0 : i32
        %dma_start3A_242 = arith.constant 0 : i32
        %dma_start3A_243 = tpu.memref_slice %arg3[%dma_start3A_241, %dma_start3A_242] : memref<10000x128xf32, #tpu.memory_space<hbm>> -> memref<10000x128xf32, #tpu.memory_space<hbm>>
        tpu.enqueue_indirect_dma source(%dma_start3A_243 : memref<10000x128xf32, #tpu.memory_space<hbm>>) target(%arg9 : memref<100x128xf32, #tpu.memory_space<vmem>>) offsets(%dma_start3A_240 : memref<100xi32, #tpu.memory_space<vmem>>) semaphore(%arg16 : memref<!tpu.dma_semaphore, #tpu.memory_space<semaphore_mem>>)
      } else {
      }
      %add3A_164 = arith.constant 1 : i32
      %add3A_165 = arith.addi %add3A_140, %add3A_164 : i32
      %dma_wait3A_166 = arith.constant 0 : i32
      %dma_wait3A_167 = arith.constant 0 : i32
      %dma_wait3A_168 = tpu.memref_slice %arg7[%dma_wait3A_166, %dma_wait3A_167] : memref<2x100xi32, #tpu.memory_space<vmem>> -> memref<1x100xi32, #tpu.memory_space<vmem>>
      %dma_wait3A_169 = tpu.memref_squeeze %dma_wait3A_168 : memref<1x100xi32, #tpu.memory_space<vmem>> -> memref<100xi32, #tpu.memory_space<vmem>>
      %dma_wait3A_170 = arith.constant 0 : i32
      %dma_wait3A_171 = arith.constant 0 : i32
      %dma_wait3A_172 = tpu.memref_slice %arg3[%dma_wait3A_170, %dma_wait3A_171] : memref<10000x128xf32, #tpu.memory_space<hbm>> -> memref<10000x128xf32, #tpu.memory_space<hbm>>
      tpu.wait_indirect_dma semaphore(%arg17 : memref<!tpu.dma_semaphore, #tpu.memory_space<semaphore_mem>>) src(%dma_wait3A_172 : memref<10000x128xf32, #tpu.memory_space<hbm>>) dst(%arg10 : memref<100x128xf32, #tpu.memory_space<vmem>>)
      %dma_start3A_173 = arith.constant 1 : i32
      %dma_start3A_174 = arith.constant 0 : i32
      %dma_start3A_175 = tpu.memref_slice %arg7[%dma_start3A_173, %dma_start3A_174] : memref<2x100xi32, #tpu.memory_space<vmem>> -> memref<1x100xi32, #tpu.memory_space<vmem>>
      %dma_start3A_176 = tpu.memref_squeeze %dma_start3A_175 : memref<1x100xi32, #tpu.memory_space<vmem>> -> memref<100xi32, #tpu.memory_space<vmem>>
      %dma_start3A_177 = arith.constant 0 : i32
      %dma_start3A_178 = arith.constant 0 : i32
      %dma_start3A_179 = tpu.memref_slice %arg12[%dma_start3A_177, %dma_start3A_178] : memref<10112x128xf32, #tpu.memory_space<vmem_shared>> -> memref<10112x128xf32, #tpu.memory_space<vmem_shared>>
      tpu.enqueue_indirect_dma source(%arg10 : memref<100x128xf32, #tpu.memory_space<vmem>>) target(%dma_start3A_179 : memref<10112x128xf32, #tpu.memory_space<vmem_shared>>) offsets(%dma_start3A_176 : memref<100xi32, #tpu.memory_space<vmem>>) semaphore(%arg20 : memref<!tpu.dma_semaphore, #tpu.memory_space<semaphore_mem>>) {add = true}
      %add3A_180 = arith.constant 3 : i32
      %add3A_181 = arith.addi %add3A_165, %add3A_180 : i32
      %lt3A_182 = arith.constant 100 : i32
      %lt3A_183 = arith.cmpi slt, %add3A_181, %lt3A_182 : i32
      %convert_element_type3A_184 = arith.extui %lt3A_183 : i1 to i32
      %cond3A_185 = arith.constant 0 : i32
      %cond3A_186 = arith.cmpi ne, %convert_element_type3A_184, %cond3A_185 : i32
      scf.if %cond3A_186 {
        %add3A_210 = arith.constant 3 : i32
        %add3A_211 = arith.addi %add3A_165, %add3A_210 : i32
        %dma_start3A_212 = arith.constant 0 : i32
        %dma_start3A_213 = arith.constant 0 : i32
        %dma_start3A_214 = tpu.memref_slice %arg2[%add3A, %add3A_211, %dma_start3A_212, %dma_start3A_213] : memref<32x100x2x100xi32, #tpu.memory_space<hbm>> -> memref<1x1x2x100xi32, #tpu.memory_space<hbm>>
        %dma_start3A_215 = tpu.memref_squeeze %dma_start3A_214 : memref<1x1x2x100xi32, #tpu.memory_space<hbm>> -> memref<2x100xi32, #tpu.memory_space<hbm>>
        %dma_start3A_216 = arith.constant 0 : i32
        %dma_start3A_217 = arith.constant 0 : i32
        %dma_start3A_218 = tpu.memref_slice %arg2[%add3A, %add3A_211, %dma_start3A_216, %dma_start3A_217] : memref<32x100x2x100xi32, #tpu.memory_space<hbm>> -> memref<1x1x2x100xi32, #tpu.memory_space<hbm>>
        %dma_start3A_219 = tpu.memref_squeeze %dma_start3A_218 : memref<1x1x2x100xi32, #tpu.memory_space<hbm>> -> memref<2x100xi32, #tpu.memory_space<hbm>>
        tpu.enqueue_dma source(%dma_start3A_219 : memref<2x100xi32, #tpu.memory_space<hbm>>) target(%arg7 : memref<2x100xi32, #tpu.memory_space<vmem>>) target_semaphore(%arg14 : memref<!tpu.dma_semaphore, #tpu.memory_space<semaphore_mem>>)
        %dma_wait3A_220 = arith.constant 1 : i32
        %dma_wait3A_221 = arith.constant 0 : i32
        %dma_wait3A_222 = tpu.memref_slice %arg7[%dma_wait3A_220, %dma_wait3A_221] : memref<2x100xi32, #tpu.memory_space<vmem>> -> memref<1x100xi32, #tpu.memory_space<vmem>>
        %dma_wait3A_223 = tpu.memref_squeeze %dma_wait3A_222 : memref<1x100xi32, #tpu.memory_space<vmem>> -> memref<100xi32, #tpu.memory_space<vmem>>
        %dma_wait3A_224 = arith.constant 0 : i32
        %dma_wait3A_225 = arith.constant 0 : i32
        %dma_wait3A_226 = tpu.memref_slice %arg12[%dma_wait3A_224, %dma_wait3A_225] : memref<10112x128xf32, #tpu.memory_space<vmem_shared>> -> memref<10112x128xf32, #tpu.memory_space<vmem_shared>>
        tpu.wait_indirect_dma semaphore(%arg20 : memref<!tpu.dma_semaphore, #tpu.memory_space<semaphore_mem>>) src(%arg10 : memref<100x128xf32, #tpu.memory_space<vmem>>) dst(%dma_wait3A_226 : memref<10112x128xf32, #tpu.memory_space<vmem_shared>>)
        %add3A_227 = arith.constant 3 : i32
        %add3A_228 = arith.addi %add3A_165, %add3A_227 : i32
        %dma_wait3A_229 = arith.constant 0 : i32
        %dma_wait3A_230 = arith.constant 0 : i32
        %dma_wait3A_231 = tpu.memref_slice %arg2[%add3A, %add3A_228, %dma_wait3A_229, %dma_wait3A_230] : memref<32x100x2x100xi32, #tpu.memory_space<hbm>> -> memref<1x1x2x100xi32, #tpu.memory_space<hbm>>
        %dma_wait3A_232 = tpu.memref_squeeze %dma_wait3A_231 : memref<1x1x2x100xi32, #tpu.memory_space<hbm>> -> memref<2x100xi32, #tpu.memory_space<hbm>>
        %dma_wait3A_233 = arith.constant 0 : i32
        %dma_wait3A_234 = arith.constant 0 : i32
        %dma_wait3A_235 = tpu.memref_slice %arg2[%add3A, %add3A_228, %dma_wait3A_233, %dma_wait3A_234] : memref<32x100x2x100xi32, #tpu.memory_space<hbm>> -> memref<1x1x2x100xi32, #tpu.memory_space<hbm>>
        %dma_wait3A_236 = tpu.memref_squeeze %dma_wait3A_235 : memref<1x1x2x100xi32, #tpu.memory_space<hbm>> -> memref<2x100xi32, #tpu.memory_space<hbm>>
        tpu.wait_dma2 semaphore(%arg14 : memref<!tpu.dma_semaphore, #tpu.memory_space<semaphore_mem>>) src(%dma_wait3A_236 : memref<2x100xi32, #tpu.memory_space<hbm>>) dst(%arg7 : memref<2x100xi32, #tpu.memory_space<vmem>>)
        %dma_start3A_237 = arith.constant 0 : i32
        %dma_start3A_238 = arith.constant 0 : i32
        %dma_start3A_239 = tpu.memref_slice %arg7[%dma_start3A_237, %dma_start3A_238] : memref<2x100xi32, #tpu.memory_space<vmem>> -> memref<1x100xi32, #tpu.memory_space<vmem>>
        %dma_start3A_240 = tpu.memref_squeeze %dma_start3A_239 : memref<1x100xi32, #tpu.memory_space<vmem>> -> memref<100xi32, #tpu.memory_space<vmem>>
        %dma_start3A_241 = arith.constant 0 : i32
        %dma_start3A_242 = arith.constant 0 : i32
        %dma_start3A_243 = tpu.memref_slice %arg3[%dma_start3A_241, %dma_start3A_242] : memref<10000x128xf32, #tpu.memory_space<hbm>> -> memref<10000x128xf32, #tpu.memory_space<hbm>>
        tpu.enqueue_indirect_dma source(%dma_start3A_243 : memref<10000x128xf32, #tpu.memory_space<hbm>>) target(%arg10 : memref<100x128xf32, #tpu.memory_space<vmem>>) offsets(%dma_start3A_240 : memref<100xi32, #tpu.memory_space<vmem>>) semaphore(%arg17 : memref<!tpu.dma_semaphore, #tpu.memory_space<semaphore_mem>>)
      } else {
      }
      %add3A_187 = arith.constant 2 : i32
      %add3A_188 = arith.addi %add3A_140, %add3A_187 : i32
      %dma_wait3A_189 = arith.constant 0 : i32
      %dma_wait3A_190 = arith.constant 0 : i32
      %dma_wait3A_191 = tpu.memref_slice %arg8[%dma_wait3A_189, %dma_wait3A_190] : memref<2x100xi32, #tpu.memory_space<vmem>> -> memref<1x100xi32, #tpu.memory_space<vmem>>
      %dma_wait3A_192 = tpu.memref_squeeze %dma_wait3A_191 : memref<1x100xi32, #tpu.memory_space<vmem>> -> memref<100xi32, #tpu.memory_space<vmem>>
      %dma_wait3A_193 = arith.constant 0 : i32
      %dma_wait3A_194 = arith.constant 0 : i32
      %dma_wait3A_195 = tpu.memref_slice %arg3[%dma_wait3A_193, %dma_wait3A_194] : memref<10000x128xf32, #tpu.memory_space<hbm>> -> memref<10000x128xf32, #tpu.memory_space<hbm>>
      tpu.wait_indirect_dma semaphore(%arg18 : memref<!tpu.dma_semaphore, #tpu.memory_space<semaphore_mem>>) src(%dma_wait3A_195 : memref<10000x128xf32, #tpu.memory_space<hbm>>) dst(%arg11 : memref<100x128xf32, #tpu.memory_space<vmem>>)
      %dma_start3A_196 = arith.constant 1 : i32
      %dma_start3A_197 = arith.constant 0 : i32
      %dma_start3A_198 = tpu.memref_slice %arg8[%dma_start3A_196, %dma_start3A_197] : memref<2x100xi32, #tpu.memory_space<vmem>> -> memref<1x100xi32, #tpu.memory_space<vmem>>
      %dma_start3A_199 = tpu.memref_squeeze %dma_start3A_198 : memref<1x100xi32, #tpu.memory_space<vmem>> -> memref<100xi32, #tpu.memory_space<vmem>>
      %dma_start3A_200 = arith.constant 0 : i32
      %dma_start3A_201 = arith.constant 0 : i32
      %dma_start3A_202 = tpu.memref_slice %arg12[%dma_start3A_200, %dma_start3A_201] : memref<10112x128xf32, #tpu.memory_space<vmem_shared>> -> memref<10112x128xf32, #tpu.memory_space<vmem_shared>>
      tpu.enqueue_indirect_dma source(%arg11 : memref<100x128xf32, #tpu.memory_space<vmem>>) target(%dma_start3A_202 : memref<10112x128xf32, #tpu.memory_space<vmem_shared>>) offsets(%dma_start3A_199 : memref<100xi32, #tpu.memory_space<vmem>>) semaphore(%arg21 : memref<!tpu.dma_semaphore, #tpu.memory_space<semaphore_mem>>) {add = true}
      %add3A_203 = arith.constant 3 : i32
      %add3A_204 = arith.addi %add3A_188, %add3A_203 : i32
      %lt3A_205 = arith.constant 100 : i32
      %lt3A_206 = arith.cmpi slt, %add3A_204, %lt3A_205 : i32
      %convert_element_type3A_207 = arith.extui %lt3A_206 : i1 to i32
      %cond3A_208 = arith.constant 0 : i32
      %cond3A_209 = arith.cmpi ne, %convert_element_type3A_207, %cond3A_208 : i32
      scf.if %cond3A_209 {
        %add3A_210 = arith.constant 3 : i32
        %add3A_211 = arith.addi %add3A_188, %add3A_210 : i32
        %dma_start3A_212 = arith.constant 0 : i32
        %dma_start3A_213 = arith.constant 0 : i32
        %dma_start3A_214 = tpu.memref_slice %arg2[%add3A, %add3A_211, %dma_start3A_212, %dma_start3A_213] : memref<32x100x2x100xi32, #tpu.memory_space<hbm>> -> memref<1x1x2x100xi32, #tpu.memory_space<hbm>>
        %dma_start3A_215 = tpu.memref_squeeze %dma_start3A_214 : memref<1x1x2x100xi32, #tpu.memory_space<hbm>> -> memref<2x100xi32, #tpu.memory_space<hbm>>
        %dma_start3A_216 = arith.constant 0 : i32
        %dma_start3A_217 = arith.constant 0 : i32
        %dma_start3A_218 = tpu.memref_slice %arg2[%add3A, %add3A_211, %dma_start3A_216, %dma_start3A_217] : memref<32x100x2x100xi32, #tpu.memory_space<hbm>> -> memref<1x1x2x100xi32, #tpu.memory_space<hbm>>
        %dma_start3A_219 = tpu.memref_squeeze %dma_start3A_218 : memref<1x1x2x100xi32, #tpu.memory_space<hbm>> -> memref<2x100xi32, #tpu.memory_space<hbm>>
        tpu.enqueue_dma source(%dma_start3A_219 : memref<2x100xi32, #tpu.memory_space<hbm>>) target(%arg8 : memref<2x100xi32, #tpu.memory_space<vmem>>) target_semaphore(%arg15 : memref<!tpu.dma_semaphore, #tpu.memory_space<semaphore_mem>>)
        %dma_wait3A_220 = arith.constant 1 : i32
        %dma_wait3A_221 = arith.constant 0 : i32
        %dma_wait3A_222 = tpu.memref_slice %arg8[%dma_wait3A_220, %dma_wait3A_221] : memref<2x100xi32, #tpu.memory_space<vmem>> -> memref<1x100xi32, #tpu.memory_space<vmem>>
        %dma_wait3A_223 = tpu.memref_squeeze %dma_wait3A_222 : memref<1x100xi32, #tpu.memory_space<vmem>> -> memref<100xi32, #tpu.memory_space<vmem>>
        %dma_wait3A_224 = arith.constant 0 : i32
        %dma_wait3A_225 = arith.constant 0 : i32
        %dma_wait3A_226 = tpu.memref_slice %arg12[%dma_wait3A_224, %dma_wait3A_225] : memref<10112x128xf32, #tpu.memory_space<vmem_shared>> -> memref<10112x128xf32, #tpu.memory_space<vmem_shared>>
        tpu.wait_indirect_dma semaphore(%arg21 : memref<!tpu.dma_semaphore, #tpu.memory_space<semaphore_mem>>) src(%arg11 : memref<100x128xf32, #tpu.memory_space<vmem>>) dst(%dma_wait3A_226 : memref<10112x128xf32, #tpu.memory_space<vmem_shared>>)
        %add3A_227 = arith.constant 3 : i32
        %add3A_228 = arith.addi %add3A_188, %add3A_227 : i32
        %dma_wait3A_229 = arith.constant 0 : i32
        %dma_wait3A_230 = arith.constant 0 : i32
        %dma_wait3A_231 = tpu.memref_slice %arg2[%add3A, %add3A_228, %dma_wait3A_229, %dma_wait3A_230] : memref<32x100x2x100xi32, #tpu.memory_space<hbm>> -> memref<1x1x2x100xi32, #tpu.memory_space<hbm>>
        %dma_wait3A_232 = tpu.memref_squeeze %dma_wait3A_231 : memref<1x1x2x100xi32, #tpu.memory_space<hbm>> -> memref<2x100xi32, #tpu.memory_space<hbm>>
        %dma_wait3A_233 = arith.constant 0 : i32
        %dma_wait3A_234 = arith.constant 0 : i32
        %dma_wait3A_235 = tpu.memref_slice %arg2[%add3A, %add3A_228, %dma_wait3A_233, %dma_wait3A_234] : memref<32x100x2x100xi32, #tpu.memory_space<hbm>> -> memref<1x1x2x100xi32, #tpu.memory_space<hbm>>
        %dma_wait3A_236 = tpu.memref_squeeze %dma_wait3A_235 : memref<1x1x2x100xi32, #tpu.memory_space<hbm>> -> memref<2x100xi32, #tpu.memory_space<hbm>>
        tpu.wait_dma2 semaphore(%arg15 : memref<!tpu.dma_semaphore, #tpu.memory_space<semaphore_mem>>) src(%dma_wait3A_236 : memref<2x100xi32, #tpu.memory_space<hbm>>) dst(%arg8 : memref<2x100xi32, #tpu.memory_space<vmem>>)
        %dma_start3A_237 = arith.constant 0 : i32
        %dma_start3A_238 = arith.constant 0 : i32
        %dma_start3A_239 = tpu.memref_slice %arg8[%dma_start3A_237, %dma_start3A_238] : memref<2x100xi32, #tpu.memory_space<vmem>> -> memref<1x100xi32, #tpu.memory_space<vmem>>
        %dma_start3A_240 = tpu.memref_squeeze %dma_start3A_239 : memref<1x100xi32, #tpu.memory_space<vmem>> -> memref<100xi32, #tpu.memory_space<vmem>>
        %dma_start3A_241 = arith.constant 0 : i32
        %dma_start3A_242 = arith.constant 0 : i32
        %dma_start3A_243 = tpu.memref_slice %arg3[%dma_start3A_241, %dma_start3A_242] : memref<10000x128xf32, #tpu.memory_space<hbm>> -> memref<10000x128xf32, #tpu.memory_space<hbm>>
        tpu.enqueue_indirect_dma source(%dma_start3A_243 : memref<10000x128xf32, #tpu.memory_space<hbm>>) target(%arg11 : memref<100x128xf32, #tpu.memory_space<vmem>>) offsets(%dma_start3A_240 : memref<100xi32, #tpu.memory_space<vmem>>) semaphore(%arg18 : memref<!tpu.dma_semaphore, #tpu.memory_space<semaphore_mem>>)
      } else {
      }
    }
    %scan3A_95 = arith.constant 33 : i32
    %dma_wait3A_96 = arith.constant 0 : i32
    %dma_wait3A_97 = arith.constant 0 : i32
    %dma_wait3A_98 = tpu.memref_slice %arg6[%dma_wait3A_96, %dma_wait3A_97] : memref<2x100xi32, #tpu.memory_space<vmem>> -> memref<1x100xi32, #tpu.memory_space<vmem>>
    %dma_wait3A_99 = tpu.memref_squeeze %dma_wait3A_98 : memref<1x100xi32, #tpu.memory_space<vmem>> -> memref<100xi32, #tpu.memory_space<vmem>>
    %dma_wait3A_100 = arith.constant 0 : i32
    %dma_wait3A_101 = arith.constant 0 : i32
    %dma_wait3A_102 = tpu.memref_slice %arg3[%dma_wait3A_100, %dma_wait3A_101] : memref<10000x128xf32, #tpu.memory_space<hbm>> -> memref<10000x128xf32, #tpu.memory_space<hbm>>
    tpu.wait_indirect_dma semaphore(%arg16 : memref<!tpu.dma_semaphore, #tpu.memory_space<semaphore_mem>>) src(%dma_wait3A_102 : memref<10000x128xf32, #tpu.memory_space<hbm>>) dst(%arg9 : memref<100x128xf32, #tpu.memory_space<vmem>>)
    %dma_start3A_103 = arith.constant 1 : i32
    %dma_start3A_104 = arith.constant 0 : i32
    %dma_start3A_105 = tpu.memref_slice %arg6[%dma_start3A_103, %dma_start3A_104] : memref<2x100xi32, #tpu.memory_space<vmem>> -> memref<1x100xi32, #tpu.memory_space<vmem>>
    %dma_start3A_106 = tpu.memref_squeeze %dma_start3A_105 : memref<1x100xi32, #tpu.memory_space<vmem>> -> memref<100xi32, #tpu.memory_space<vmem>>
    %dma_start3A_107 = arith.constant 0 : i32
    %dma_start3A_108 = arith.constant 0 : i32
    %dma_start3A_109 = tpu.memref_slice %arg12[%dma_start3A_107, %dma_start3A_108] : memref<10112x128xf32, #tpu.memory_space<vmem_shared>> -> memref<10112x128xf32, #tpu.memory_space<vmem_shared>>
    tpu.enqueue_indirect_dma source(%arg9 : memref<100x128xf32, #tpu.memory_space<vmem>>) target(%dma_start3A_109 : memref<10112x128xf32, #tpu.memory_space<vmem_shared>>) offsets(%dma_start3A_106 : memref<100xi32, #tpu.memory_space<vmem>>) semaphore(%arg19 : memref<!tpu.dma_semaphore, #tpu.memory_space<semaphore_mem>>) {add = true}
    %dma_wait3A_110 = arith.constant 1 : i32
    %dma_wait3A_111 = arith.constant 0 : i32
    %dma_wait3A_112 = tpu.memref_slice %arg6[%dma_wait3A_110, %dma_wait3A_111] : memref<2x100xi32, #tpu.memory_space<vmem>> -> memref<1x100xi32, #tpu.memory_space<vmem>>
    %dma_wait3A_113 = tpu.memref_squeeze %dma_wait3A_112 : memref<1x100xi32, #tpu.memory_space<vmem>> -> memref<100xi32, #tpu.memory_space<vmem>>
    %dma_wait3A_114 = arith.constant 0 : i32
    %dma_wait3A_115 = arith.constant 0 : i32
    %dma_wait3A_116 = tpu.memref_slice %arg12[%dma_wait3A_114, %dma_wait3A_115] : memref<10112x128xf32, #tpu.memory_space<vmem_shared>> -> memref<10112x128xf32, #tpu.memory_space<vmem_shared>>
    tpu.wait_indirect_dma semaphore(%arg19 : memref<!tpu.dma_semaphore, #tpu.memory_space<semaphore_mem>>) src(%arg9 : memref<100x128xf32, #tpu.memory_space<vmem>>) dst(%dma_wait3A_116 : memref<10112x128xf32, #tpu.memory_space<vmem_shared>>)
    %dma_wait3A_117 = arith.constant 1 : i32
    %dma_wait3A_118 = arith.constant 0 : i32
    %dma_wait3A_119 = tpu.memref_slice %arg7[%dma_wait3A_117, %dma_wait3A_118] : memref<2x100xi32, #tpu.memory_space<vmem>> -> memref<1x100xi32, #tpu.memory_space<vmem>>
    %dma_wait3A_120 = tpu.memref_squeeze %dma_wait3A_119 : memref<1x100xi32, #tpu.memory_space<vmem>> -> memref<100xi32, #tpu.memory_space<vmem>>
    %dma_wait3A_121 = arith.constant 0 : i32
    %dma_wait3A_122 = arith.constant 0 : i32
    %dma_wait3A_123 = tpu.memref_slice %arg12[%dma_wait3A_121, %dma_wait3A_122] : memref<10112x128xf32, #tpu.memory_space<vmem_shared>> -> memref<10112x128xf32, #tpu.memory_space<vmem_shared>>
    tpu.wait_indirect_dma semaphore(%arg20 : memref<!tpu.dma_semaphore, #tpu.memory_space<semaphore_mem>>) src(%arg10 : memref<100x128xf32, #tpu.memory_space<vmem>>) dst(%dma_wait3A_123 : memref<10112x128xf32, #tpu.memory_space<vmem_shared>>)
    %dma_wait3A_124 = arith.constant 1 : i32
    %dma_wait3A_125 = arith.constant 0 : i32
    %dma_wait3A_126 = tpu.memref_slice %arg8[%dma_wait3A_124, %dma_wait3A_125] : memref<2x100xi32, #tpu.memory_space<vmem>> -> memref<1x100xi32, #tpu.memory_space<vmem>>
    %dma_wait3A_127 = tpu.memref_squeeze %dma_wait3A_126 : memref<1x100xi32, #tpu.memory_space<vmem>> -> memref<100xi32, #tpu.memory_space<vmem>>
    %dma_wait3A_128 = arith.constant 0 : i32
    %dma_wait3A_129 = arith.constant 0 : i32
    %dma_wait3A_130 = tpu.memref_slice %arg12[%dma_wait3A_128, %dma_wait3A_129] : memref<10112x128xf32, #tpu.memory_space<vmem_shared>> -> memref<10112x128xf32, #tpu.memory_space<vmem_shared>>
    tpu.wait_indirect_dma semaphore(%arg21 : memref<!tpu.dma_semaphore, #tpu.memory_space<semaphore_mem>>) src(%arg11 : memref<100x128xf32, #tpu.memory_space<vmem>>) dst(%dma_wait3A_130 : memref<10112x128xf32, #tpu.memory_space<vmem_shared>>)
    %barrier3A_131 = arith.constant 0 : index
    tpu.barrier barrier_id(%barrier3A_131)
    %mul3A_132 = arith.constant 632 : i32
    %mul3A_133 = arith.muli %arg1, %mul3A_132 : i32
    %mul3A_134 = arith.constant 632 : i32
    %mul3A_135 = arith.muli %arg1, %mul3A_134 : i32
    "tpu.region"() ({
      %run_scoped3A = tpu.sem_alloc : memref<!tpu.dma_semaphore, #tpu.memory_space<semaphore_mem>>
      %dma_start3A_136 = arith.constant 0 : i32
      %dma_start3A_137 = tpu.memref_slice %arg5[%arg0, %mul3A_135, %dma_start3A_136] : memref<2x10112x128xf32, #tpu.memory_space<hbm>> -> memref<1x632x128xf32, #tpu.memory_space<hbm>>
      %dma_start3A_138 = tpu.memref_squeeze %dma_start3A_137 : memref<1x632x128xf32, #tpu.memory_space<hbm>> -> memref<632x128xf32, #tpu.memory_space<hbm>>
      %dma_start3A_139 = arith.constant 0 : i32
      %dma_start3A_140 = tpu.memref_slice %arg12[%mul3A_133, %dma_start3A_139] : memref<10112x128xf32, #tpu.memory_space<vmem_shared>> -> memref<632x128xf32, #tpu.memory_space<vmem_shared>>
      tpu.enqueue_dma source(%dma_start3A_140 : memref<632x128xf32, #tpu.memory_space<vmem_shared>>) target(%dma_start3A_138 : memref<632x128xf32, #tpu.memory_space<hbm>>) target_semaphore(%run_scoped3A : memref<!tpu.dma_semaphore, #tpu.memory_space<semaphore_mem>>)
      %dma_wait3A_141 = arith.constant 0 : i32
      %dma_wait3A_142 = tpu.memref_slice %arg5[%arg0, %mul3A_135, %dma_wait3A_141] : memref<2x10112x128xf32, #tpu.memory_space<hbm>> -> memref<1x632x128xf32, #tpu.memory_space<hbm>>
      %dma_wait3A_143 = tpu.memref_squeeze %dma_wait3A_142 : memref<1x632x128xf32, #tpu.memory_space<hbm>> -> memref<632x128xf32, #tpu.memory_space<hbm>>
      %dma_wait3A_144 = arith.constant 0 : i32
      %dma_wait3A_145 = tpu.memref_slice %arg12[%mul3A_133, %dma_wait3A_144] : memref<10112x128xf32, #tpu.memory_space<vmem_shared>> -> memref<632x128xf32, #tpu.memory_space<vmem_shared>>
      tpu.wait_dma2 semaphore(%run_scoped3A : memref<!tpu.dma_semaphore, #tpu.memory_space<semaphore_mem>>) src(%dma_wait3A_145 : memref<632x128xf32, #tpu.memory_space<vmem_shared>>) dst(%dma_wait3A_143 : memref<632x128xf32, #tpu.memory_space<hbm>>)
      tpu.yield
    }) : () -> ()
    return
  }
}

module attributes {stable_mosaic.version = 14 : i64} {
  func.func @_mlp_body(%arg0: memref<2x10112x128xf32, #tpu.memory_space<vmem>>, %arg1: memref<128x128xf32, #tpu.memory_space<vmem>>, %arg2: memref<1x128xf32, #tpu.memory_space<vmem>>, %arg3: memref<1x128xf32, #tpu.memory_space<vmem>>, %arg4: memref<128x128xf32, #tpu.memory_space<vmem>>, %arg5: memref<1x128xf32, #tpu.memory_space<vmem>>, %arg6: memref<1x128xf32, #tpu.memory_space<vmem>>, %arg7: memref<10000x128xf32, #tpu.memory_space<vmem>>) attributes {dimension_semantics = [], scalar_prefetch = 0 : i64, scratch_operands = 0 : i64, tpu.core_type = #tpu.core_type<tc>} {
    %get3A = arith.constant 0 : index
    %get3A_0 = arith.constant 0 : index
    %get3A_1 = arith.constant 0 : index
    %get3A_2 = vector.load %arg0[%get3A, %get3A_0, %get3A_1] : memref<2x10112x128xf32, #tpu.memory_space<vmem>>, vector<1x10000x128xf32>
    %get3A_3 = vector.shape_cast %get3A_2 : vector<1x10000x128xf32> to vector<10000x128xf32>
    %get3A_4 = arith.constant 1 : index
    %get3A_5 = arith.constant 0 : index
    %get3A_6 = arith.constant 0 : index
    %get3A_7 = vector.load %arg0[%get3A_4, %get3A_5, %get3A_6] : memref<2x10112x128xf32, #tpu.memory_space<vmem>>, vector<1x10000x128xf32>
    %get3A_8 = vector.shape_cast %get3A_7 : vector<1x10000x128xf32> to vector<10000x128xf32>
    %add3A = arith.addf %get3A_3, %get3A_8 : vector<10000x128xf32>
    %get3A_9 = arith.constant 0 : index
    %get3A_10 = arith.constant 0 : index
    %get3A_11 = vector.load %arg1[%get3A_9, %get3A_10] : memref<128x128xf32, #tpu.memory_space<vmem>>, vector<128x128xf32>
    %dot_general3A = arith.constant dense<0.000000e+00> : vector<10000x128xf32>
    %dot_general3A_12 = tpu.matmul %add3A, %get3A_11, %dot_general3A {dimension_numbers = #tpu.dot_dimension_numbers<[1], [0], [0], [1], [0, 0, 1, 1], [], []>, transpose_lhs_hint = false} : vector<10000x128xf32>, vector<128x128xf32>, vector<10000x128xf32> -> vector<10000x128xf32>
    %reduce_sum3A = arith.constant dense<0.000000e+00> : vector<128xf32>
    %reduce_sum3A_13 = vector.multi_reduction <add>, %dot_general3A_12, %reduce_sum3A [0] : vector<10000x128xf32> to vector<128xf32>
    %broadcast_in_dim3A = vector.shape_cast %reduce_sum3A_13 : vector<128xf32> to vector<1x128xf32>
    %div3A = arith.constant 1.000000e+04 : f32
    %div3A_14 = vector.broadcast %div3A : f32 to vector<1x128xf32>
    %div3A_15 = arith.divf %broadcast_in_dim3A, %div3A_14 : vector<1x128xf32>
    %square3A = arith.mulf %dot_general3A_12, %dot_general3A_12 : vector<10000x128xf32>
    %reduce_sum3A_16 = arith.constant dense<0.000000e+00> : vector<128xf32>
    %reduce_sum3A_17 = vector.multi_reduction <add>, %square3A, %reduce_sum3A_16 [0] : vector<10000x128xf32> to vector<128xf32>
    %broadcast_in_dim3A_18 = vector.shape_cast %reduce_sum3A_17 : vector<128xf32> to vector<1x128xf32>
    %div3A_19 = arith.constant 1.000000e+04 : f32
    %div3A_20 = vector.broadcast %div3A_19 : f32 to vector<1x128xf32>
    %div3A_21 = arith.divf %broadcast_in_dim3A_18, %div3A_20 : vector<1x128xf32>
    %square3A_22 = arith.mulf %div3A_15, %div3A_15 : vector<1x128xf32>
    %sub3A = arith.subf %div3A_21, %square3A_22 : vector<1x128xf32>
    %add3A_23 = arith.constant 9.99999974E-6 : f32
    %add3A_24 = vector.broadcast %add3A_23 : f32 to vector<1x128xf32>
    %add3A_25 = arith.addf %sub3A, %add3A_24 : vector<1x128xf32>
    %rsqrt3A = math.rsqrt %add3A_25 : vector<1x128xf32>
    %get3A_26 = arith.constant 0 : index
    %get3A_27 = arith.constant 0 : index
    %get3A_28 = vector.load %arg2[%get3A_26, %get3A_27] : memref<1x128xf32, #tpu.memory_space<vmem>>, vector<1x128xf32>
    %mul3A = arith.mulf %rsqrt3A, %get3A_28 : vector<1x128xf32>
    %mul3A_29 = vector.broadcast %mul3A : vector<1x128xf32> to vector<10000x128xf32>
    %mul3A_30 = arith.mulf %dot_general3A_12, %mul3A_29 : vector<10000x128xf32>
    %get3A_31 = arith.constant 0 : index
    %get3A_32 = arith.constant 0 : index
    %get3A_33 = vector.load %arg3[%get3A_31, %get3A_32] : memref<1x128xf32, #tpu.memory_space<vmem>>, vector<1x128xf32>
    %mul3A_34 = arith.mulf %div3A_15, %mul3A : vector<1x128xf32>
    %sub3A_35 = arith.subf %get3A_33, %mul3A_34 : vector<1x128xf32>
    %add3A_36 = vector.broadcast %sub3A_35 : vector<1x128xf32> to vector<10000x128xf32>
    %add3A_37 = arith.addf %mul3A_30, %add3A_36 : vector<10000x128xf32>
    %max3A = arith.constant 0.000000e+00 : f32
    %max3A_38 = vector.broadcast %max3A : f32 to vector<10000x128xf32>
    %max3A_39 = arith.maximumf %add3A_37, %max3A_38 : vector<10000x128xf32>
    %get3A_40 = arith.constant 0 : index
    %get3A_41 = arith.constant 0 : index
    %get3A_42 = vector.load %arg4[%get3A_40, %get3A_41] : memref<128x128xf32, #tpu.memory_space<vmem>>, vector<128x128xf32>
    %dot_general3A_43 = arith.constant dense<0.000000e+00> : vector<10000x128xf32>
    %dot_general3A_44 = tpu.matmul %max3A_39, %get3A_42, %dot_general3A_43 {dimension_numbers = #tpu.dot_dimension_numbers<[1], [0], [0], [1], [0, 0, 1, 1], [], []>, transpose_lhs_hint = false} : vector<10000x128xf32>, vector<128x128xf32>, vector<10000x128xf32> -> vector<10000x128xf32>
    %reduce_sum3A_45 = arith.constant dense<0.000000e+00> : vector<128xf32>
    %reduce_sum3A_46 = vector.multi_reduction <add>, %dot_general3A_44, %reduce_sum3A_45 [0] : vector<10000x128xf32> to vector<128xf32>
    %broadcast_in_dim3A_47 = vector.shape_cast %reduce_sum3A_46 : vector<128xf32> to vector<1x128xf32>
    %div3A_48 = arith.constant 1.000000e+04 : f32
    %div3A_49 = vector.broadcast %div3A_48 : f32 to vector<1x128xf32>
    %div3A_50 = arith.divf %broadcast_in_dim3A_47, %div3A_49 : vector<1x128xf32>
    %square3A_51 = arith.mulf %dot_general3A_44, %dot_general3A_44 : vector<10000x128xf32>
    %reduce_sum3A_52 = arith.constant dense<0.000000e+00> : vector<128xf32>
    %reduce_sum3A_53 = vector.multi_reduction <add>, %square3A_51, %reduce_sum3A_52 [0] : vector<10000x128xf32> to vector<128xf32>
    %broadcast_in_dim3A_54 = vector.shape_cast %reduce_sum3A_53 : vector<128xf32> to vector<1x128xf32>
    %div3A_55 = arith.constant 1.000000e+04 : f32
    %div3A_56 = vector.broadcast %div3A_55 : f32 to vector<1x128xf32>
    %div3A_57 = arith.divf %broadcast_in_dim3A_54, %div3A_56 : vector<1x128xf32>
    %square3A_58 = arith.mulf %div3A_50, %div3A_50 : vector<1x128xf32>
    %sub3A_59 = arith.subf %div3A_57, %square3A_58 : vector<1x128xf32>
    %add3A_60 = arith.constant 9.99999974E-6 : f32
    %add3A_61 = vector.broadcast %add3A_60 : f32 to vector<1x128xf32>
    %add3A_62 = arith.addf %sub3A_59, %add3A_61 : vector<1x128xf32>
    %rsqrt3A_63 = math.rsqrt %add3A_62 : vector<1x128xf32>
    %get3A_64 = arith.constant 0 : index
    %get3A_65 = arith.constant 0 : index
    %get3A_66 = vector.load %arg5[%get3A_64, %get3A_65] : memref<1x128xf32, #tpu.memory_space<vmem>>, vector<1x128xf32>
    %mul3A_67 = arith.mulf %rsqrt3A_63, %get3A_66 : vector<1x128xf32>
    %mul3A_68 = vector.broadcast %mul3A_67 : vector<1x128xf32> to vector<10000x128xf32>
    %mul3A_69 = arith.mulf %dot_general3A_44, %mul3A_68 : vector<10000x128xf32>
    %get3A_70 = arith.constant 0 : index
    %get3A_71 = arith.constant 0 : index
    %get3A_72 = vector.load %arg6[%get3A_70, %get3A_71] : memref<1x128xf32, #tpu.memory_space<vmem>>, vector<1x128xf32>
    %mul3A_73 = arith.mulf %div3A_50, %mul3A_67 : vector<1x128xf32>
    %sub3A_74 = arith.subf %get3A_72, %mul3A_73 : vector<1x128xf32>
    %add3A_75 = vector.broadcast %sub3A_74 : vector<1x128xf32> to vector<10000x128xf32>
    %add3A_76 = arith.addf %mul3A_69, %add3A_75 : vector<10000x128xf32>
    %max3A_77 = arith.constant 0.000000e+00 : f32
    %max3A_78 = vector.broadcast %max3A_77 : f32 to vector<10000x128xf32>
    %max3A_79 = arith.maximumf %add3A_76, %max3A_78 : vector<10000x128xf32>
    %swap3A = arith.constant 0 : index
    %swap3A_80 = arith.constant 0 : index
    %swap3A_81 = vector.load %arg7[%swap3A, %swap3A_80] : memref<10000x128xf32, #tpu.memory_space<vmem>>, vector<10000x128xf32>
    tpu.vector_store %arg7[%swap3A, %swap3A_80], %max3A_79 {strides = array<i32>} : memref<10000x128xf32, #tpu.memory_space<vmem>>, vector<10000x128xf32>,
    return
  }
}

</mosaic_0001>

<sc_bundles>
// kernel: kernel.4.cloned.1.call-start
scs
__scs_entry_jumppad:
0x0: {  	(pc) =	sbr.rel $0x88, $3  }
0x1: {  	(tag) =	ssettag $0x0;
	lr =	simm.s32 $0x1  }
0x2: {  	[smem:$0x3F99] =	sst lr;
	_ =	strace $0xD0000000  }
0x3: {  	_ = 	snop  }
0x4: {  	_ = 	snop  }
0x5: {  	_ = 	snop  }
0x6: {  	_ = 	snop  }
0x7: {  	_ = 	snop  }
__scs_overlays_trampoline_lowered:
0x8: {  	[smem:$0x3FA8] =	sst s0  }
0x9: {  	[smem:$0x3FA9] =	sst s1  }
0xa: {  	[smem:$0x3FAA] =	sst s2  }
0xb: {  	[smem:$0x3FAB] =	sst s3  }
0xc: {  	[smem:$0x3FAC] =	sst s4  }
0xd: {  	[smem:$0x3FAD] =	sst s5  }
0xe: {  	[smem:$0x3FAE] =	sst s6  }
0xf: {  	[smem:$0x3FAF] =	sst s7  }
0x10: {  	[smem:$0x3FB0] =	sst s8  }
0x11: {  	[smem:$0x3FB1] =	sst s9;
	s0 =	simm.s32 @!p0 $0x0  }
0x12: {  	s1 =	sld [smem:$0x3F97];
	s0 =	simm.s32 @p0 $0x1  }
0x13: {  	[smem:$0x3FB2] =	sst s0;
	s0 =	simm.s32 @!p1 $0x0  }
0x14: {  	s2 =	sld [smem:$0x3F96];
	s0 =	simm.s32 @p1 $0x1  }
0x15: {  	[smem:$0x3FB3] =	sst s0;
	s0 =	simm.s32 @!p2 $0x0  }
0x16: {  	s3 =	sld [smem:$0x3FDB];
	s0 =	simm.s32 @p2 $0x1  }
0x17: {  	s4 =	simm.s32 $0x1BF5;
	[smem:$0x3FB5] =	sst s0  }
0x18: {  	s0 =	sld [smem:$0x3F98];
	_ =	swait.ge [sflag:s4], $0x0  }
0x19: {  	s7 =	sld [smem:$0x3F99]  }
0x1a: {  	s8 =	sadd.s32 $0xFFFFE003, lr  }
0x1b: {  	s9 =	sadd.s32 $0xFFFFFEF7, lr;
	s5 =	simm.s32 $0xFFFFFFFF;
	p2 =	slt.u32 s8, $0xFFFFF086  }
0x1c: {  	p1 =	slt.u32 s9, $0xF7A;
	s5 =	simm.s32 @!p2 $0x0  }
0x1d: {  	s5 =	simm.s32 @p1 $0x1;
	p0 =	seq.s32 s7, s2  }
0x1e: {  	s7 =	smul.u32 @!p0 $0xF7A, s2;
	p2 =	seq.s32 @!p0 s5, $0x0  }
0x1f: {  	s9 =	smul.u32 $0xF7A, s1;
	s8 =	simm.s32 @!p0 $0x1BF5;
	p2 =	por !p2, p0  }
0x20: {  	[sflag:s8] =	ssyncset.s32 @!p0 $0xFFFFF086;
	s6 =	sadd.s32 @!p0 s3, s7;
	s7 =	simm.s32 @!p0 $0x108  }
0x21: {  	s3 =	sadd.s32 s3, s9;
	s6 =	sadd.s32 @!p0 $0x88, s6;
	s7 =	simm.s32 @p2 $0x1082  }
0x22: {  	[simem:s7], [sflag:s8] =	dma.local @!p0 [hbm:s6], $0xF7A  }
0x23: {  	s9 =	sor.u32 $0xD0000000, s2;
	s6 =	simm.s32 $0x108;
	_ =	swait.ge @!p0 [sflag:s8], $0x0  }
0x24: {  	s3 =	sadd.s32 $0x88, s3;
	s6 =	simm.s32 @!p1 $0x1082;
	[sflag:s4] =	ssyncset.s32 $0xFFFFF086  }
0x25: {  	[simem:s6], [sflag:s4] =	dma.local [hbm:s3], $0xF7A  }
0x26: {  	[smem:$0x3F99] =	sst s1;
	(tag) =	ssettag s2;
	_ =	strace s9  }
0x27: {  	s1 =	sld [smem:$0x3FA9]  }
0x28: {  	s2 =	sld [smem:$0x3FAA]  }
0x29: {  	s4 =	sld [smem:$0x3FAC]  }
0x2a: {  	p0 =	seq.s32 s5, $0x0;
	s5 =	sld [smem:$0x3FAD]  }
0x2b: {  	s6 =	sld [smem:$0x3FAE]  }
0x2c: {  	s7 =	sld [smem:$0x3FAF]  }
0x2d: {  	s3 =	simm.s32 $0x108;
	s8 =	sld [smem:$0x3FB0]  }
0x2e: {  	s3 =	simm.s32 @!p0 $0x1082;
	s9 =	sld [smem:$0x3FB1]  }
0x2f: {  	lr =	sadd.s32 s0, s3;
	s0 =	sld [smem:$0x3FA8]  }
0x30: {  	s3 =	sld [smem:$0x3FAB]  }
0x31: {  	[smem:$0x3FB4] =	sst s10  }
0x32: {  	s10 =	sld [smem:$0x3FB2];
	_ =	sdelay $0x3  }
0x33: {  	p0 =	seq.s32 s10, $0x1;
	s10 =	sld [smem:$0x3FB4];
	_ =	sdelay $0x3  }
0x34: {  	[smem:$0x3FB4] =	sst s10  }
0x35: {  	s10 =	sld [smem:$0x3FB3];
	_ =	sdelay $0x3  }
0x36: {  	p1 =	seq.s32 s10, $0x1;
	s10 =	sld [smem:$0x3FB4];
	_ =	sdelay $0x3  }
0x37: {  	[smem:$0x3FB4] =	sst s10  }
0x38: {  	s10 =	sld [smem:$0x3FB5]  }
0x39: {  	_ = 	snop;
	(pc) =	sbr.ind lr, $3  }
0x3a: {  	_ = 	snop  }
0x3b: {  	_ = 	snop  }
0x3c: {  	p2 =	seq.s32 s10, $0x1;
	s10 =	sld [smem:$0x3FB4]  }
0x3d: {  	_ =	shalt  }
0x3e: {  	_ =	shalt  }
0x3f: {  	_ =	shalt  }
0x40: {  	_ =	shalt  }
0x41: {  	_ =	shalt  }
0x42: {  	_ =	shalt  }
0x43: {  	_ =	shalt  }
0x44: {  	_ =	shalt  }
0x45: {  	_ =	shalt  }
0x46: {  	_ =	shalt  }
0x47: {  	_ =	shalt  }
0x48: {  	_ =	shalt  }
0x49: {  	_ =	shalt  }
0x4a: {  	_ =	shalt  }
0x4b: {  	_ =	shalt  }
0x4c: {  	_ =	shalt  }
0x4d: {  	_ =	shalt  }
0x4e: {  	_ =	shalt  }
0x4f: {  	_ =	shalt  }
0x50: {  	_ =	shalt  }
0x51: {  	_ =	shalt  }
0x52: {  	_ =	shalt  }
0x53: {  	_ =	shalt  }
0x54: {  	_ =	shalt  }
0x55: {  	_ =	shalt  }
0x56: {  	_ =	shalt  }
0x57: {  	_ =	shalt  }
0x58: {  	_ =	shalt  }
0x59: {  	_ =	shalt  }
0x5a: {  	_ =	shalt  }
0x5b: {  	_ =	shalt  }
0x5c: {  	_ =	shalt  }
0x5d: {  	_ =	shalt  }
0x5e: {  	_ =	shalt  }
0x5f: {  	_ =	shalt  }
0x60: {  	_ =	shalt  }
0x61: {  	_ =	shalt  }
0x62: {  	_ =	shalt  }
0x63: {  	_ =	shalt  }
0x64: {  	_ =	shalt  }
0x65: {  	_ =	shalt  }
0x66: {  	_ =	shalt  }
0x67: {  	_ =	shalt  }
0x68: {  	_ =	shalt  }
0x69: {  	_ =	shalt  }
0x6a: {  	_ =	shalt  }
0x6b: {  	_ =	shalt  }
0x6c: {  	_ =	shalt  }
0x6d: {  	_ =	shalt  }
0x6e: {  	_ =	shalt  }
0x6f: {  	_ =	shalt  }
0x70: {  	_ =	shalt  }
0x71: {  	_ =	shalt  }
0x72: {  	_ =	shalt  }
0x73: {  	_ =	shalt  }
0x74: {  	_ =	shalt  }
0x75: {  	_ =	shalt  }
0x76: {  	_ =	shalt  }
0x77: {  	_ =	shalt  }
0x78: {  	_ =	shalt  }
0x79: {  	_ =	shalt  }
0x7a: {  	_ =	shalt  }
0x7b: {  	_ =	shalt  }
0x7c: {  	_ =	shalt  }
0x7d: {  	_ =	shalt  }
0x7e: {  	_ =	shalt  }
0x7f: {  	_ =	shalt  }
0x80: {  	_ =	shalt  }
0x81: {  	_ =	shalt  }
0x82: {  	_ =	shalt  }
0x83: {  	_ =	shalt  }
0x84: {  	_ =	shalt  }
0x85: {  	_ =	shalt  }
0x86: {  	_ =	shalt  }
0x87: {  	_ =	shalt  }
.Lfunc_end0:
.L_simem_size_0:
called_computation_lowered:
.L_overlay_start_0:
0x88: {  	s2 =	sld [smem:$0x3FD9]  }
0x89: {  	s3 =	sld [smem:$0x3FFE];
	_ =	sdelay $0x1  }
0x8a: {  	s1 =	srdreg.scid  }
0x8b: {  	s0 =	sand.u32 $0x1, s1  }
0x8c: {  	s17 =	sshll.u32 s0, $0xA;
	s2 =	sadd.s32 s3, s2  }
0x8d: {  	s2 =	sadd.s32 s2, s17  }
0x8e: {  	[smem:$0x3FC0] =	sst s2  }
0x8f: {  	_ = 	snop  }
0x90: {  	s2 =	sld [smem:$0x3FC9]  }
0x91: {  	s18 =	sld [smem:$0x3FD0];
	(tm) =	ssettm $0x1  }
0x92: {  	s4 =	sld [smem:$0x3FFB];
	_ =	sdelay $0x3  }
0x93: {  	_ =	strace s4  }
0x94: {  	s4 =	sld [smem:$0x3FFC];
	_ =	sdelay $0x3  }
0x95: {  	_ =	strace s4  }
0x96: {  	s4 =	sld [smem:$0x3FFD];
	_ =	sdelay $0x3  }
0x97: {  	_ =	strace s4  }
0x98: {  	_ =	strace $0x8FFFFFFF  }
0x99: {  	s19 =	sld [smem:$0x3FDB];
	_ =	sdelay $0x1  }
0x9a: {  	s5 =	simm.s32 $_scs_section_size  }
0x9b: {  	s6 =	simm.s32 $_size__tile_overlayer_lowered;
	s7 =	simm.s32 $_tile_overlayer_lowered  }
0x9c: {  	s22 =	simm.s32 $0x1BFF;
	s21 =	sshll.u32 s7, $0x1;
	s4 =	sadd.s32 s5, s19  }
0x9d: {  	s8 =	simm.s32 $0x0;
	s20 =	sshll.u32 s6, $0x1;
	s6 =	sadd.s32 s21, s4  }
0x9e: {  	[timem:s8], [sflag:s22] =	dma.local [hbm:s6], s20  }
0x9f: {  	_ =	swait.ge [sflag:s22], s20  }
0xa0: {  	s5 =	ssub.s32 $0x0, s20;
	[sflag:s22] =	ssyncset.done $0x0  }
0xa1: {  	[sflag:s22] =	ssyncadd.s32 s5;
	_ =	sdelay $0x1  }
0xa2: {  	s23 =	simm.s32 $0x1B8B  }
0xa3: {  	_ =	swait.ge [sflag:s23], $0x1  }
0xa4: {  	[sflag:s23] =	ssyncset.done $0x0  }
0xa5: {  	s25 =	simm.s32 $0x1B8E;
	s24 =	sld [smem:$0x3FFE];
	[sflag:s23] =	ssyncadd.s32 $0xFFFFFFFF  }
0xa6: {  	s26 =	simm.s32 $execute0_lowered;
	[smem:$0x3FD2] =	sst s25  }
0xa7: {  	s6 =	sshll.u32 s26, $0x1;
	_ =	strace $0x80000046;
	[dreg:$0x1] =	wrdreg $0xFFFFFFFF  }
0xa8: {  	s28 =	simm.s32 $_size_execute0_lowered;
	s4 =	sadd.s32 s4, s6;
	[dreg:$0x0] =	wrdreg $0x0  }
0xa9: {  	s6 =	sshll.u32 s28, $0x1;
	[dreg:$0x2] =	wrdreg s4  }
0xaa: {  	[dreg:$0x3] =	wrdreg s6  }
0xab: {  	[dreg:$0x4] =	wrdreg $0xC0  }
0xac: {  	_ =	task [dreg:s8], $0x5FFFF  }
0xad: {  	[dreg:$0x1] =	wrdreg $0xFFFFFFFF  }
0xae: {  	[dreg:$0x0] =	wrdreg $0x60  }
0xaf: {  	[dreg:$0x2] =	wrdreg s18  }
0xb0: {  	[dreg:$0x3] =	wrdreg s2  }
0xb1: {  	[dreg:$0x4] =	wrdreg s24  }
0xb2: {  	[dreg:$0x5] =	wrdreg $0x9F000  }
0xb3: {  	[dreg:$0x6] =	wrdreg $0x9  }
0xb4: {  	_ =	task.clear_ibuf [dreg:s8], $0x7FFFF;
	_ =	strace $0x90000046  }
0xb5: {  	s29 =	simm.s32 $0x9;
	_ =	strace $0x80000048  }
0xb6: {  	_ =	swait.ge [sflag:s29], $0x1  }
0xb7: {  	[sflag:s29] =	ssyncadd.s32 $0xFFFFFFFF  }
0xb8: {  	_ =	strace $0x90000048  }
0xb9: {  	_ =	sfence  }
0xba: {  	s30 =	sld [smem:$0x0];
	_ =	sdelay $0x2  }
0xbb: {  	s31 =	sshll.u32 s1, $0xD;
	s1 =	sshrl.u32 s1, $0x2  }
0xbc: {  	s3 =	sand.u32 $0x4000, s31;
	s1 =	sadd.s32 s1, s30  }
0xbd: {  	s0 =	sor.u32 s3, s0;
	s1 =	sshll.u32 s1, $0x11  }
0xbe: {  	s0 =	sor.u32 s1, s0  }
0xbf: {  	s0 =	sadd.s32 $0x8F2B, s0  }
0xc0: {  	[sflag:s0] =	ssyncadd.remote.s32 $0x1  }
0xc1: {  	_ =	sfence.sel $0xFFFF  }
0xc2: {  	[dreg:$0x0] =	wrdreg $0xFFFFFFFF;
	(pc) =	sbr.abs _section_cstart, $3  }
0xc3: {  	[dreg:$0x1] =	wrdreg $0xFFFFFFFF  }
0xc4: {  	_ =	task.clear_ibuf [dreg:s8], $0x2FFFF;
	_ =	strace $0x9FFFFFFF  }
0xc5: {  	(tm) =	ssettm $0x7FFFFFFF  }
tec
execute0_lowered:
.L_overlay_start_1:
0x0: {  	(tag) =	ssettag $0x1  }
0x1: {  	s0 =	rddreg [dreg:$0x0]  }
0x2: {  	s1 =	rddreg [dreg:$0x1]  }
0x3: {  	s2 =	rddreg [dreg:$0x2]  }
0x4: {  	s3 =	rddreg [dreg:$0x3];
	s4 =	srdreg.scid  }
0x5: {  	s13 =	stileid.u32;
	s28 =	simm.s32 $0x64;
	s29 =	simm.s32 $0x300  }
0x6: {  	s30 =	simm.s32 $0x2;
	s31 =	simm.s32 $0x3700;
	s8 =	smul.u32 $0x13C00, s13  }
0x7: {  	s6 =	sand.u32 $0x1, s4;
	s4 =	simm.s32 $0x0;
	s17 =	smul.u32 $0x4F000, s13  }
0x8: {  	p0 =	sne.s32 s13, $0xF;
	p2 =	seq.s32 s13, $0xF;
	s18 =	smul.u32 $0x2780, s13  }
0x9: {  	s7 =	smul.u32 $0x13C000, s6;
	s5 =	sshll.u32 s6, $0x4;
	[smem:$0x7FF] =	sst s4  }
0xa: {  	s11 =	ssub.s32 $0x2, s6;
	p1 =	seq.s32 s6, $0x0;
	s10 =	smul.u32 $0x64000, s6  }
0xb: {  	s5 =	sor.u32 s13, s5;
	_ =	strace $0x80000047;
	s12 =	sshrl.u32 s11, $0x1  }
0xc: {  	p0 =	por !p1, !p0;
	p1 =	por !p1, !p2;
	s9 =	smul.u32 $0x6400, s5  }
0xd: {  	s5 =	sadd.s32 $0x1200, s2;
	s7 =	sadd.s32 s8, s7;
	p0 =	por !p0, !p0  }
0xe: {  	p2 =	por !p1, !p1;
	s8 =	sshrl.u32 s17, $0x2;
	s7 =	sshrl.u32 s7, $0x3  }
0xf: {  	s20 =	sadd.s32 s8, s3;
	s8 =	sadd.s32 $0x128400, s3;
	p1 =	por p2, p0  }
0x10: {  	s9 =	sshrl.u32 s9, $0x3;
	s2 =	sadd.s32 s7, s2;
	s7 =	ssub.s32 s11, s12  }
0x11: {  	s11 =	smul.u32 $0x6400, s13;
	s12 =	sadd.s32 $0x25080, s1;
	p1 =	seq.s32 @!p1 s6, $0x0  }
0x12: {  	s6 =	simm.s32 $0x6;
	s14 =	sadd.s32 s0, s9;
	[dreg:$0x8] =	wrdreg s12  }
0x13: {  	s12 =	sadd.s32 $0x138800, s3;
	s9 =	sadd.s32 s1, s18;
	s2 =	sadd.s32 $0x3A00, s2  }
0x14: {  	s21 =	smax.u32 s7, $0x1;
	p1 =	por @!p0 p1, p2;
	[dreg:$0x9] =	wrdreg s9  }
0x15: {  	s18 =	simm.s32 $0x100;
	p2 =	por !p2, p0;
	[dreg:$0xa] =	wrdreg s2  }
0x16: {  	s7 =	simm.s32 $0x4;
	s15 =	sadd.s32 $0x20, s14;
	[dreg:$0xb] =	wrdreg s21  }
0x17: {  	s16 =	sadd.s32 $0x40, s14;
	s19 =	sadd.s32 s11, s10;
	[dreg:$0x5] =	wrdreg s14  }
0x18: {  	s23 =	sadd.s32 $0xC60, s14;
	p1 =	por p1, p0;
	s10 =	simm.s32 $0x7  }
0x19: {  	s11 =	simm.s32 $0x5;
	s14 =	simm.s32 $0x280;
	[dreg:$0x6] =	wrdreg s15  }
0x1a: {  	s9 =	simm.s32 $0x9;
	s21 =	simm.s32 $0x0;
	[dreg:$0x7] =	wrdreg s16  }
0x1b: {  	s22 =	sadd.s32 $0x500, s19;
	[dreg:$0xc] =	wrdreg s23;
	s25 =	sor.u32 $0x300, s19  }
0x1c: {  	s24 =	sadd.s32 $0x400, s19;
	s2 =	sshrl.u32 s22, $0x3;
	s26 =	sshrl.u32 s25, $0x3  }
0x1d: {  	s15 =	sadd.s32 s2, s0;
	s2 =	sshrl.u32 s24, $0x3;
	s17 =	sadd.s32 s26, s0  }
0x1e: {  	s16 =	sadd.s32 s2, s0;
	s0 =	sshll.u32 @!p1 s13, $0x6;
	s2 =	sshrl.u32 @!p2 s12, $0x3  }
0x1f: {  	s19 =	simm.s32 $0x200;
	s0 =	sor.u32 @!p1 $0x1C0A, s0;
	[dreg:$0x10] =	wrdreg s2  }
0x20: {  	s25 =	smov.u32 s20;
	[dreg:$0xd] =	wrdreg s0;
	s0 =	sshrl.u32 @!p1 s20, $0x3  }
0x21: {  	s26 =	simm.s32 $0x1;
	[dreg:$0xe] =	wrdreg s0;
	s0 =	sshrl.u32 @!p2 s8, $0x3  }
0x22: {  	s12 =	simm.s32 $0x180;
	[dreg:$0xf] =	wrdreg s0;
	s0 =	sshll.u32 @p0 s13, $0x6  }
0x23: {  	s2 =	simm.s32 $0x6B00;
	s8 =	simm.s32 $0x80;
	s0 =	sor.u32 @p0 $0x1C0A, s0  }
0x24: {  	s13 =	simm.s32 $0x8;
	[dreg:$0x11] =	wrdreg s0;
	s0 =	sshrl.u32 @p0 s20, $0x3  }
0x25: {  	s20 =	simm.s32 $0xA;
	[dreg:$0x12] =	wrdreg s0;
	s0 =	simm.s32 $0x3  }
.LBB2_1:
0x26: {  	s22 =	rddreg [dreg:$0x5]  }
0x27: {  	s24 =	rddreg [dreg:$0x6]  }
0x28: {  	[tilespmem:s4], [sflag:$0x1] =	stream.linear.gather [hbm4b:s22+s4], $0x100, $0x38;
	[tilespmem:$0x1DB00] =	vst v63  }
0x29: {  	s23 =	rddreg [dreg:$0x7]  }
0x2a: {  	[tilespmem:s18], [sflag:$0x2] =	stream.linear.gather [hbm4b:s24+s4], $0x100, $0x38;
	[tilespmem:$0x1DB00] =	vst v63  }
0x2b: {  	s22 =	rddreg [dreg:$0xd]  }
0x2c: {  	[tilespmem:s19], [sflag:$0x3] =	stream.linear.gather [hbm4b:s23+s4], $0x100, $0x38;
	[tilespmem:$0x1DB00] =	vst v63  }
0x2d: {  	s23 =	rddreg [dreg:$0xe]  }
0x2e: {  	[spmem:s23], [sflag:s22] =	dma.local @!p1 [hbm:s5], $0x2780  }
0x2f: {  	s22 =	simm.s32 @!p1 $0xA  }
0x30: {  	_ =	swait.ge @!p1 [sflag:s22], $0x2780  }
0x31: {  	[sflag:s22] =	ssyncset.done @!p1 $0x0;
	s23 =	rddreg [dreg:$0x8]  }
0x32: {  	s24 =	rddreg [dreg:$0xf];
	[sflag:s22] =	ssyncadd.s32 @!p1 $0xFFFFD880;
	s22 =	simm.s32 @!p2 $0x1FCA  }
0x33: {  	[spmem:s24], [sflag:s22] =	dma.local @!p2 [hbm:s23], $0x2080  }
0x34: {  	s23 =	simm.s32 @!p2 $0xA  }
0x35: {  	_ =	swait.ge @!p2 [sflag:s23], $0x2080  }
0x36: {  	[sflag:s23] =	ssyncset.done @!p2 $0x0  }
0x37: {  	s24 =	rddreg [dreg:$0x10];
	[sflag:s23] =	ssyncadd.s32 @!p2 $0xFFFFDF80  }
0x38: {  	[spmem:s24], [sflag:s22] =	dma.local @!p2 [hbm:s5], $0x700  }
0x39: {  	_ =	swait.ge @!p2 [sflag:s23], $0x700  }
0x3a: {  	s22 =	rddreg [dreg:$0x9]  }
0x3b: {  	[sflag:s23] =	ssyncset.done @!p2 $0x0;
	s24 =	rddreg [dreg:$0x12]  }
0x3c: {  	[sflag:s23] =	ssyncadd.s32 @!p2 $0xFFFFF900;
	s23 =	rddreg [dreg:$0x11]  }
0x3d: {  	[spmem:s24], [sflag:s23] =	dma.local @p0 [hbm:s22], $0x2780  }
0x3e: {  	s22 =	simm.s32 @p0 $0xA  }
0x3f: {  	_ =	swait.ge @p0 [sflag:s22], $0x2780  }
0x40: {  	[sflag:s22] =	ssyncset.done @p0 $0x0  }
0x41: {  	[sflag:s22] =	ssyncadd.s32 @p0 $0xFFFFD880  }
0x42: {  	_ =	swait.ge [sflag:s26], $0x100  }
0x43: {  	[sflag:s26] =	ssyncset.done $0x0  }
0x44: {  	[sflag:s26] =	ssyncadd.s32 $0xFFFFFF00  }
0x45: {  	[tilespmem:s29], [sflag:$0x4] =	stream.indirect.gather [hbm4b:s1+s28], $0x80, s4, s28, $0xb8;
	[tilespmem:$0x1DB00] =	vst v63  }
0x46: {  	_ =	swait.ge [sflag:s30], $0x100  }
0x47: {  	[sflag:s30] =	ssyncset.done $0x0  }
0x48: {  	[sflag:s30] =	ssyncadd.s32 $0xFFFFFF00  }
0x49: {  	[tilespmem:s31], [sflag:$0x5] =	stream.indirect.gather [hbm4b:s1+s28], $0x80, s18, s28, $0xb8;
	[tilespmem:$0x1DB00] =	vst v63  }
0x4a: {  	_ =	swait.ge [sflag:s0], $0x100  }
0x4b: {  	[sflag:s0] =	ssyncset.done $0x0  }
0x4c: {  	[sflag:s0] =	ssyncadd.s32 $0xFFFFFF00  }
0x4d: {  	[tilespmem:s2], [sflag:$0x6] =	stream.indirect.gather [hbm4b:s1+s28], $0x80, s19, s28, $0xb8;
	[tilespmem:$0x1DB00] =	vst v63  }
0x4e: {  	[bflag:$0x0] =	sbarrier.arrive $0xFFFF  }
0x4f: {  	_ =	swait.ge [sflag:s7], $0x3200  }
0x50: {  	[sflag:s7] =	ssyncset.done $0x0  }
0x51: {  	[sflag:s7] =	ssyncadd.s32 $0xFFFFCE00  }
0x52: {  	[spmem:s3] =	stream.indirect.scatter.add.f32 [tilespmem:s29], [sflag:$0x7], $0x80, s8, s28, $0xb8;
	[tilespmem:$0x1DB00] =	vst v63  }
0x53: {  	s24 =	sadd.s32 $0x0, s17  }
0x54: {  	[tilespmem:s4], [sflag:$0x1] =	stream.linear.gather [hbm4b:s24+s4], $0x100, $0x38;
	[tilespmem:$0x1DB00] =	vst v63  }
0x55: {  	_ =	swait.ge [sflag:s10], $0x3200  }
0x56: {  	[sflag:s10] =	ssyncset.done $0x0  }
0x57: {  	[sflag:s10] =	ssyncadd.s32 $0xFFFFCE00  }
0x58: {  	_ =	swait.ge [sflag:s26], $0x100  }
0x59: {  	[sflag:s26] =	ssyncset.done $0x0  }
0x5a: {  	[sflag:s26] =	ssyncadd.s32 $0xFFFFFF00  }
0x5b: {  	[tilespmem:s29], [sflag:$0x4] =	stream.indirect.gather [hbm4b:s1+s28], $0x80, s4, s28, $0xb8;
	[tilespmem:$0x1DB00] =	vst v63  }
0x5c: {  	_ =	swait.ge [sflag:s11], $0x3200  }
0x5d: {  	[sflag:s11] =	ssyncset.done $0x0  }
0x5e: {  	[sflag:s11] =	ssyncadd.s32 $0xFFFFCE00  }
0x5f: {  	[spmem:s3] =	stream.indirect.scatter.add.f32 [tilespmem:s31], [sflag:$0x8], $0x80, s12, s28, $0xb8;
	[tilespmem:$0x1DB00] =	vst v63  }
0x60: {  	s23 =	sadd.s32 $0x0, s16  }
0x61: {  	[tilespmem:s18], [sflag:$0x2] =	stream.linear.gather [hbm4b:s23+s4], $0x100, $0x38;
	[tilespmem:$0x1DB00] =	vst v63  }
0x62: {  	_ =	swait.ge [sflag:s13], $0x3200  }
0x63: {  	[sflag:s13] =	ssyncset.done $0x0  }
0x64: {  	[sflag:s13] =	ssyncadd.s32 $0xFFFFCE00  }
0x65: {  	_ =	swait.ge [sflag:s30], $0x100  }
0x66: {  	[sflag:s30] =	ssyncset.done $0x0  }
0x67: {  	[sflag:s30] =	ssyncadd.s32 $0xFFFFFF00  }
0x68: {  	[tilespmem:s31], [sflag:$0x5] =	stream.indirect.gather [hbm4b:s1+s28], $0x80, s18, s28, $0xb8;
	[tilespmem:$0x1DB00] =	vst v63  }
0x69: {  	_ =	swait.ge [sflag:s6], $0x3200  }
0x6a: {  	[sflag:s6] =	ssyncset.done $0x0  }
0x6b: {  	[sflag:s6] =	ssyncadd.s32 $0xFFFFCE00  }
0x6c: {  	[spmem:s3] =	stream.indirect.scatter.add.f32 [tilespmem:s2], [sflag:$0x9], $0x80, s14, s28, $0xb8;
	[tilespmem:$0x1DB00] =	vst v63  }
0x6d: {  	s24 =	sadd.s32 $0x0, s15  }
0x6e: {  	[tilespmem:s19], [sflag:$0x3] =	stream.linear.gather [hbm4b:s24+s4], $0x100, $0x38;
	[tilespmem:$0x1DB00] =	vst v63  }
0x6f: {  	_ =	swait.ge [sflag:s9], $0x3200  }
0x70: {  	[sflag:s9] =	ssyncset.done $0x0  }
0x71: {  	[sflag:s9] =	ssyncadd.s32 $0xFFFFCE00  }
0x72: {  	_ =	swait.ge [sflag:s0], $0x100  }
0x73: {  	[sflag:s0] =	ssyncset.done $0x0  }
0x74: {  	s22 =	simm.s32 $0x60;
	[sflag:s0] =	ssyncadd.s32 $0xFFFFFF00  }
.LBB2_2:
0x75: {  	[tilespmem:s2], [sflag:$0x6] =	stream.indirect.gather [hbm4b:s1+s28], $0x80, s19, s28, $0xb8;
	[tilespmem:$0x1DB00] =	vst v63  }
0x76: {  	s23 =	smov.u32 s22  }
0x77: {  	p3 =	sne.s32 s22, $0xBA0;
	s22 =	sadd.s32 $0x60, s22;
	_ =	swait.ge [sflag:s7], $0x3200  }
0x78: {  	[sflag:s7] =	ssyncset.done $0x0  }
0x79: {  	[sflag:s7] =	ssyncadd.s32 $0xFFFFCE00  }
0x7a: {  	[spmem:s3] =	stream.indirect.scatter.add.f32 [tilespmem:s29], [sflag:$0x7], $0x80, s8, s28, $0xb8;
	[tilespmem:$0x1DB00] =	vst v63  }
0x7b: {  	s24 =	sadd.s32 s23, s17  }
0x7c: {  	[tilespmem:s4], [sflag:$0x1] =	stream.linear.gather [hbm4b:s24+s4], $0x100, $0x38;
	[tilespmem:$0x1DB00] =	vst v63  }
0x7d: {  	_ =	swait.ge [sflag:s10], $0x3200  }
0x7e: {  	[sflag:s10] =	ssyncset.done $0x0  }
0x7f: {  	[sflag:s10] =	ssyncadd.s32 $0xFFFFCE00  }
0x80: {  	_ =	swait.ge [sflag:s26], $0x100  }
0x81: {  	[sflag:s26] =	ssyncset.done $0x0  }
0x82: {  	[sflag:s26] =	ssyncadd.s32 $0xFFFFFF00  }
0x83: {  	[tilespmem:s29], [sflag:$0x4] =	stream.indirect.gather [hbm4b:s1+s28], $0x80, s4, s28, $0xb8;
	[tilespmem:$0x1DB00] =	vst v63  }
0x84: {  	_ =	swait.ge [sflag:s11], $0x3200  }
0x85: {  	[sflag:s11] =	ssyncset.done $0x0  }
0x86: {  	[sflag:s11] =	ssyncadd.s32 $0xFFFFCE00  }
0x87: {  	[spmem:s3] =	stream.indirect.scatter.add.f32 [tilespmem:s31], [sflag:$0x8], $0x80, s12, s28, $0xb8;
	[tilespmem:$0x1DB00] =	vst v63  }
0x88: {  	s24 =	sadd.s32 s23, s16  }
0x89: {  	[tilespmem:s18], [sflag:$0x2] =	stream.linear.gather [hbm4b:s24+s4], $0x100, $0x38;
	[tilespmem:$0x1DB00] =	vst v63  }
0x8a: {  	_ =	swait.ge [sflag:s13], $0x3200  }
0x8b: {  	[sflag:s13] =	ssyncset.done $0x0  }
0x8c: {  	[sflag:s13] =	ssyncadd.s32 $0xFFFFCE00  }
0x8d: {  	_ =	swait.ge [sflag:s30], $0x100  }
0x8e: {  	[sflag:s30] =	ssyncset.done $0x0  }
0x8f: {  	[sflag:s30] =	ssyncadd.s32 $0xFFFFFF00  }
0x90: {  	[tilespmem:s31], [sflag:$0x5] =	stream.indirect.gather [hbm4b:s1+s28], $0x80, s18, s28, $0xb8;
	[tilespmem:$0x1DB00] =	vst v63  }
0x91: {  	_ =	swait.ge [sflag:s6], $0x3200  }
0x92: {  	[sflag:s6] =	ssyncset.done $0x0  }
0x93: {  	[sflag:s6] =	ssyncadd.s32 $0xFFFFCE00  }
0x94: {  	[spmem:s3] =	stream.indirect.scatter.add.f32 [tilespmem:s2], [sflag:$0x9], $0x80, s14, s28, $0xb8;
	[tilespmem:$0x1DB00] =	vst v63  }
0x95: {  	s23 =	sadd.s32 s23, s15  }
0x96: {  	[tilespmem:s19], [sflag:$0x3] =	stream.linear.gather [hbm4b:s23+s4], $0x100, $0x38;
	[tilespmem:$0x1DB00] =	vst v63  }
0x97: {  	_ =	swait.ge [sflag:s9], $0x3200  }
.Ltmp0:
0x98: {  	[sflag:s9] =	ssyncset.done $0x0;
	(pc) =	sbr.rel @p3 .LBB2_2-.Ltmp0, $4  }
0x99: {  	[sflag:s9] =	ssyncadd.s32 $0xFFFFCE00  }
0x9a: {  	_ =	swait.ge [sflag:s0], $0x100  }
0x9b: {  	[sflag:s0] =	ssyncset.done $0x0  }
0x9c: {  	[sflag:s0] =	ssyncadd.s32 $0xFFFFFF00  }
0x9d: {  	[tilespmem:s2], [sflag:$0x6] =	stream.indirect.gather [hbm4b:s1+s28], $0x80, s19, s28, $0xb8;
	[tilespmem:$0x1DB00] =	vst v63  }
0x9e: {  	_ =	swait.ge [sflag:s7], $0x3200  }
0x9f: {  	[sflag:s7] =	ssyncset.done $0x0  }
0xa0: {  	[sflag:s7] =	ssyncadd.s32 $0xFFFFCE00  }
0xa1: {  	[spmem:s3] =	stream.indirect.scatter.add.f32 [tilespmem:s29], [sflag:$0x7], $0x80, s8, s28, $0xb8;
	[tilespmem:$0x1DB00] =	vst v63  }
0xa2: {  	s22 =	rddreg [dreg:$0xc]  }
0xa3: {  	[tilespmem:s4], [sflag:$0x1] =	stream.linear.gather [hbm4b:s22+s4], $0x100, $0x38;
	[tilespmem:$0x1DB00] =	vst v63  }
0xa4: {  	_ =	swait.ge [sflag:s10], $0x3200  }
0xa5: {  	[sflag:s10] =	ssyncset.done $0x0  }
0xa6: {  	[sflag:s10] =	ssyncadd.s32 $0xFFFFCE00  }
0xa7: {  	_ =	swait.ge [sflag:s26], $0x100  }
0xa8: {  	[sflag:s26] =	ssyncset.done $0x0  }
0xa9: {  	[sflag:s26] =	ssyncadd.s32 $0xFFFFFF00  }
0xaa: {  	[tilespmem:s29], [sflag:$0x4] =	stream.indirect.gather [hbm4b:s1+s28], $0x80, s4, s28, $0xb8;
	[tilespmem:$0x1DB00] =	vst v63  }
0xab: {  	_ =	swait.ge [sflag:s11], $0x3200  }
0xac: {  	[sflag:s11] =	ssyncset.done $0x0  }
0xad: {  	[sflag:s11] =	ssyncadd.s32 $0xFFFFCE00  }
0xae: {  	[spmem:s3] =	stream.indirect.scatter.add.f32 [tilespmem:s31], [sflag:$0x8], $0x80, s12, s28, $0xb8;
	[tilespmem:$0x1DB00] =	vst v63  }
0xaf: {  	_ =	swait.ge [sflag:s6], $0x3200  }
0xb0: {  	[sflag:s6] =	ssyncset.done $0x0  }
0xb1: {  	[sflag:s6] =	ssyncadd.s32 $0xFFFFCE00  }
0xb2: {  	[spmem:s3] =	stream.indirect.scatter.add.f32 [tilespmem:s2], [sflag:$0x9], $0x80, s14, s28, $0xb8;
	[tilespmem:$0x1DB00] =	vst v63  }
0xb3: {  	_ =	swait.ge [sflag:s7], $0x3200  }
0xb4: {  	[sflag:s7] =	ssyncset.done $0x0  }
0xb5: {  	[sflag:s7] =	ssyncadd.s32 $0xFFFFCE00  }
0xb6: {  	[spmem:s3] =	stream.indirect.scatter.add.f32 [tilespmem:s29], [sflag:$0x7], $0x80, s8, s28, $0xb8;
	[tilespmem:$0x1DB00] =	vst v63  }
0xb7: {  	_ =	swait.ge [sflag:s10], $0x3200  }
0xb8: {  	[sflag:s10] =	ssyncset.done $0x0  }
0xb9: {  	[sflag:s10] =	ssyncadd.s32 $0xFFFFCE00  }
0xba: {  	_ =	swait.ge [sflag:s13], $0x3200  }
0xbb: {  	[sflag:s13] =	ssyncset.done $0x0  }
0xbc: {  	[sflag:s13] =	ssyncadd.s32 $0xFFFFCE00  }
0xbd: {  	_ =	swait.ge [sflag:s9], $0x3200  }
0xbe: {  	[sflag:s9] =	ssyncset.done $0x0  }
0xbf: {  	s23 =	stileid.u32;
	[sflag:s9] =	ssyncadd.s32 $0xFFFFCE00  }
0xc0: {  	s22 =	sshll.u32 s23, $0x6;
	[bflag:$0x0] =	sbarrier.arrive $0xFFFF  }
0xc1: {  	s23 =	sshrl.u32 s25, $0x3;
	s22 =	sor.u32 $0x1C0A, s22;
	s24 =	rddreg [dreg:$0xa]  }
0xc2: {  	[hbm:s24], [sflag:s22] =	dma.local [spmem:s23], $0x2780  }
0xc3: {  	_ =	swait.ge [sflag:s20], $0x2780  }
0xc4: {  	s21 =	sadd.s32 $0x1, s21;
	s24 =	rddreg [dreg:$0xb]  }
0xc5: {  	p3 =	sne.s32 s21, s24  }
.Ltmp1:
0xc6: {  	_ = 	snop;
	(pc) =	sbr.rel @p3 .LBB2_1-.Ltmp1, $3  }
0xc7: {  	_ =	sdelay $0x1  }
0xc8: {  	[sflag:s20] =	ssyncset.done $0x0  }
0xc9: {  	[sflag:s20] =	ssyncadd.s32 $0xFFFFD880  }
0xca: {  	_ =	sfence.sel $0x180000  }
0xcb: {  	[bflag:$0x0] =	sbarrier.arrive $0xFFFF  }
0xcc: {  	_ =	strace $0x90000047  }
0xcd: {  	s0 =	stileid.u32;
	[bflag:$0x2] =	sbarrier.arrive $0xFFFF  }
0xce: {  	p0 =	sne.s32 s0, $0x0;
	s0 =	rddreg [dreg:$0x4]  }
0xcf: {  	s0 =	sadd.s32 @!p0 $0x100000, s0  }
0xd0: {  	[sflag:s0] =	ssyncadd.tile.s32 @!p0 $0x1;
	_ =	shalt  }
.Lfunc_end2:
_tile_overlayer_lowered:
.L_overlay_start_2:
0xd1: {  	(tag) =	ssettag $0x2  }
0xd2: {  	s0 =	rddreg [dreg:$0x0];
	s2 =	stileid.u32  }
0xd3: {  	s1 =	rddreg [dreg:$0x1];
	p0 =	sne.s32 s2, $0x0  }
0xd4: {  	s3 =	rddreg [dreg:$0x2];
	[bflag:$0x3] =	sbarrier.arrive $0xFFFF;
	s2 =	simm.s32 @!p0 $0x1C0A  }
0xd5: {  	[timem:s3], [sflag:s2] =	dma.local @!p0 [hbm:s0], s1  }
0xd6: {  	s0 =	simm.s32 @!p0 $0xA  }
0xd7: {  	_ =	swait.ge @!p0 [sflag:s0], s1  }
0xd8: {  	s1 =	ssub.s32 @!p0 $0x0, s1;
	[sflag:s0] =	ssyncset.done @!p0 $0x0  }
0xd9: {  	[sflag:s0] =	ssyncadd.s32 @!p0 s1  }
0xda: {  	[bflag:$0x3] =	sbarrier.arrive $0xFFFF  }
0xdb: {  	_ =	shalt  }

</sc_bundles>
